<compile_context>
chip_gen: v7x
topology: tpu7x:2x2x1
jax: 0.10.2.dev20260603
libtpu: 0.0.44.dev20260713+nightly
codegen_flags: <defaults>
</compile_context>

<pallas_src>
import functools

import jax
import jax.numpy as jnp
from jax import lax
from jax.experimental import pallas as pl
from jax.experimental.pallas import tpu as pltpu
from jax.experimental.pallas import tpu_sc as plsc

_L = 16
_NW = 32
_U = 128
_NE = 119


def _n_pad(n: int) -> int:
    units = -(-n // _U)
    return -(-units // _NW) * _NW * _U


def _make_sc_kernel(n: int):
    n_pad = _n_pad(n)
    ch = n_pad // _NW
    last_base = (_NW - 1) * ch
    z_full = ((n - last_base) // _U) * _U
    z_rem = n - last_base - z_full
    assert z_rem % 8 == 0

    mesh = plsc.VectorSubcoreMesh(core_axis_name="c", subcore_axis_name="s")

    @functools.partial(
        pl.kernel,
        out_type=jax.ShapeDtypeStruct((3, n_pad), jnp.float32),
        mesh=mesh,
        scratch_types=[
            pltpu.VMEM((ch,), jnp.int32),
            pltpu.VMEM((3, ch), jnp.float32),
            pltpu.VMEM((_NE,), jnp.float32),
            pltpu.VMEM((_NE,), jnp.float32),
            pltpu.SemaphoreType.DMA,
            pltpu.SemaphoreType.DMA,
            pltpu.SemaphoreType.DMA,
            pltpu.SemaphoreType.DMA,
        ],
        compiler_params=pltpu.CompilerParams(needs_layout_passes=False),
    )
    def body(f_hbm, z_hbm, eta_hbm, out_hbm, z_v, f_v, eta_v, inv_v,
             sem_a, sem_b, sem_c, sem_d):
        wid = lax.axis_index("s") * 2 + lax.axis_index("c")
        base = wid * ch
        half = ((ch // 2 + _U - 1) // _U) * _U
        rest = ch - half

        in0 = pltpu.async_copy(f_hbm.at[:, pl.ds(base, half)],
                               f_v.at[:, pl.ds(0, half)], sem_a)
        in1 = pltpu.async_copy(f_hbm.at[:, pl.ds(base + half, rest)],
                               f_v.at[:, pl.ds(half, rest)], sem_b)

        @pl.when(wid < _NW - 1)
        def _():
            pltpu.sync_copy(z_hbm.at[pl.ds(base, ch)], z_v)

        @pl.when(wid == _NW - 1)
        def _():
            pltpu.sync_copy(z_hbm.at[pl.ds(base, z_full)],
                            z_v.at[pl.ds(0, z_full)])
            if z_rem:
                pltpu.sync_copy(z_hbm.at[pl.ds(base + z_full, z_rem)],
                                z_v.at[pl.ds(z_full, z_rem)])

        pltpu.sync_copy(eta_hbm, eta_v)
        for i in range(8):
            sl = pl.ds(min(i * _L, _NE - _L), _L)
            inv_v[sl] = 1.0 / eta_v[sl]

        def group(g):
            sl = pl.ds(g * _L, _L)
            r = plsc.load_gather(inv_v, [jnp.minimum(z_v[sl], _NE - 1)])
            for c in range(3):
                f_v[c, sl] = f_v[c, sl] * r

        in0.wait()
        plsc.parallel_loop(0, half // _L, unroll=8)(group)
        out0 = pltpu.async_copy(f_v.at[:, pl.ds(0, half)],
                                out_hbm.at[:, pl.ds(base, half)], sem_c)
        in1.wait()
        plsc.parallel_loop(half // _L, ch // _L, unroll=8)(group)
        out1 = pltpu.async_copy(f_v.at[:, pl.ds(half, rest)],
                                out_hbm.at[:, pl.ds(base + half, rest)], sem_d)
        out0.wait()
        out1.wait()

    return body


def kernel(forces, Z, eta):
    n = forces.shape[0]
    ft = jnp.pad(forces.T, ((0, 0), (0, _n_pad(n) - n)))
    out = _make_sc_kernel(n)(ft, Z.astype(jnp.int32), eta)
    return out[:, :n].T

# --- scband reference (transcript-rebuilt; emitter-appended) ---
"""Pipeline reference for scband-force-normaliser-4002909520403 (READ-ONLY COPY).

The authoritative reference and input builder live on the scoring server;
editing this copy changes nothing except your own understanding.
"""

import jax, jax.numpy as jnp
import numpy as np

MAX_Z = 118
N_ATOMS = 100000

def setup_inputs(seed: int = 0) -> dict:
    key = jax.random.key(seed)
    k1, k2, k3 = jax.random.split(key, 3)
    forces = jax.random.normal(k1, (N_ATOMS, 3), dtype=jnp.float32)
    Z = jax.random.randint(k2, (N_ATOMS,), 0, MAX_Z + 1, dtype=jnp.int64 if jax.config.jax_enable_x64 else jnp.int32)
    # learned/fitted parameter: per-species std of force magnitude (positive)
    eta = jax.random.uniform(k3, (MAX_Z + 1,), dtype=jnp.float32, minval=0.5, maxval=2.0)
    return {"forces": forces, "Z": Z, "eta": eta}

def reference(forces, Z, eta):
    # T: F_i -> F_i / eta[Z_i]
    per_atom_eta = jnp.take(eta, Z, axis=0)          # gather: [N]
    return forces / per_atom_eta[:, None]            # broadcast divide: [N, 3]

if __name__ == "__main__":
    import jax
    _d = setup_inputs()
    print(jax.jit(kernel)(*tuple(_d.values())))

</pallas_src>

<mosaic_0001>
#map = affine_map<(d0, d1) -> (0, 0)>
#map1 = affine_map<(d0, d1) -> (0)>
module attributes {stable_mosaic.version = 14 : i64} {
  func.func @body(%arg0: i32, %arg1: i32, %arg2: memref<3x102400xf32, #tpu.memory_space<hbm>>, %arg3: memref<100000xi32, #tpu.memory_space<hbm>>, %arg4: memref<119xf32, #tpu.memory_space<hbm>>, %arg5: memref<3x102400xf32, #tpu.memory_space<hbm>>, %arg6: memref<3200xi32, #tpu.memory_space<vmem>>, %arg7: memref<3x3200xf32, #tpu.memory_space<vmem>>, %arg8: memref<119xf32, #tpu.memory_space<vmem>>, %arg9: memref<119xf32, #tpu.memory_space<vmem>>, %arg10: memref<!tpu.dma_semaphore, #tpu.memory_space<semaphore_mem>>, %arg11: memref<!tpu.dma_semaphore, #tpu.memory_space<semaphore_mem>>, %arg12: memref<!tpu.dma_semaphore, #tpu.memory_space<semaphore_mem>>, %arg13: memref<!tpu.dma_semaphore, #tpu.memory_space<semaphore_mem>>) attributes {dimension_semantics = [#tpu.dimension_semantics<core_parallel>, #tpu.dimension_semantics<subcore_parallel>], iteration_bounds = array<i64: 2, 16>, scalar_prefetch = 0 : i64, scratch_operands = 8 : i64, tpu.core_type = #tpu.core_type<sc_vector_subcore>, window_params = [{transform_indices = #map}, {transform_indices = #map1}, {transform_indices = #map1}, {transform_indices = #map}]} {
    %mul3A = arith.constant 2 : i32
    %mul3A_0 = arith.muli %arg1, %mul3A : i32
    %add3A = arith.addi %mul3A_0, %arg0 : i32
    %mul3A_1 = arith.constant 3200 : i32
    %mul3A_2 = arith.muli %add3A, %mul3A_1 : i32
    %dma_start3A = arith.constant 0 : i32
    %dma_start3A_3 = arith.constant 0 : i32
    %dma_start3A_4 = tpu.memref_slice %arg7[%dma_start3A, %dma_start3A_3] : memref<3x3200xf32, #tpu.memory_space<vmem>> -> memref<3x1664xf32, #tpu.memory_space<vmem>>
    %dma_start3A_5 = arith.constant 0 : i32
    %dma_start3A_6 = tpu.memref_slice %arg2[%dma_start3A_5, %mul3A_2] : memref<3x102400xf32, #tpu.memory_space<hbm>> -> memref<3x1664xf32, #tpu.memory_space<hbm>>
    %dma_start3A_7 = arith.constant 0 : i32
    %dma_start3A_8 = arith.constant 0 : i32
    %dma_start3A_9 = tpu.memref_slice %arg7[%dma_start3A_7, %dma_start3A_8] : memref<3x3200xf32, #tpu.memory_space<vmem>> -> memref<3x1664xf32, #tpu.memory_space<vmem>>
    %dma_start3A_10 = arith.constant 0 : i32
    %dma_start3A_11 = tpu.memref_slice %arg2[%dma_start3A_10, %mul3A_2] : memref<3x102400xf32, #tpu.memory_space<hbm>> -> memref<3x1664xf32, #tpu.memory_space<hbm>>
    tpu.enqueue_dma source(%dma_start3A_11 : memref<3x1664xf32, #tpu.memory_space<hbm>>) target(%dma_start3A_9 : memref<3x1664xf32, #tpu.memory_space<vmem>>) target_semaphore(%arg10 : memref<!tpu.dma_semaphore, #tpu.memory_space<semaphore_mem>>)
    %add3A_12 = arith.constant 1664 : i32
    %add3A_13 = arith.addi %mul3A_2, %add3A_12 : i32
    %dma_start3A_14 = arith.constant 0 : i32
    %dma_start3A_15 = arith.constant 1664 : i32
    %dma_start3A_16 = tpu.memref_slice %arg7[%dma_start3A_14, %dma_start3A_15] : memref<3x3200xf32, #tpu.memory_space<vmem>> -> memref<3x1536xf32, #tpu.memory_space<vmem>>
    %dma_start3A_17 = arith.constant 0 : i32
    %dma_start3A_18 = tpu.memref_slice %arg2[%dma_start3A_17, %add3A_13] : memref<3x102400xf32, #tpu.memory_space<hbm>> -> memref<3x1536xf32, #tpu.memory_space<hbm>>
    %dma_start3A_19 = arith.constant 0 : i32
    %dma_start3A_20 = arith.constant 1664 : i32
    %dma_start3A_21 = tpu.memref_slice %arg7[%dma_start3A_19, %dma_start3A_20] : memref<3x3200xf32, #tpu.memory_space<vmem>> -> memref<3x1536xf32, #tpu.memory_space<vmem>>
    %dma_start3A_22 = arith.constant 0 : i32
    %dma_start3A_23 = tpu.memref_slice %arg2[%dma_start3A_22, %add3A_13] : memref<3x102400xf32, #tpu.memory_space<hbm>> -> memref<3x1536xf32, #tpu.memory_space<hbm>>
    tpu.enqueue_dma source(%dma_start3A_23 : memref<3x1536xf32, #tpu.memory_space<hbm>>) target(%dma_start3A_21 : memref<3x1536xf32, #tpu.memory_space<vmem>>) target_semaphore(%arg11 : memref<!tpu.dma_semaphore, #tpu.memory_space<semaphore_mem>>)
    %lt3A = arith.constant 31 : i32
    %lt3A_24 = arith.cmpi slt, %add3A, %lt3A : i32
    %convert_element_type3A = arith.extui %lt3A_24 : i1 to i32
    %cond3A = arith.constant 0 : i32
    %cond3A_25 = arith.cmpi ne, %convert_element_type3A, %cond3A : i32
    scf.if %cond3A_25 {
      "tpu.region"() ({
        %run_scoped3A = tpu.sem_alloc : memref<!tpu.dma_semaphore, #tpu.memory_space<semaphore_mem>>
        %dma_start3A_149 = tpu.memref_slice %arg3[%mul3A_2] : memref<100000xi32, #tpu.memory_space<hbm>> -> memref<3200xi32, #tpu.memory_space<hbm>>
        %dma_start3A_150 = tpu.memref_slice %arg3[%mul3A_2] : memref<100000xi32, #tpu.memory_space<hbm>> -> memref<3200xi32, #tpu.memory_space<hbm>>
        tpu.enqueue_dma source(%dma_start3A_150 : memref<3200xi32, #tpu.memory_space<hbm>>) target(%arg6 : memref<3200xi32, #tpu.memory_space<vmem>>) target_semaphore(%run_scoped3A : memref<!tpu.dma_semaphore, #tpu.memory_space<semaphore_mem>>)
        %dma_wait3A_151 = tpu.memref_slice %arg3[%mul3A_2] : memref<100000xi32, #tpu.memory_space<hbm>> -> memref<3200xi32, #tpu.memory_space<hbm>>
        %dma_wait3A_152 = tpu.memref_slice %arg3[%mul3A_2] : memref<100000xi32, #tpu.memory_space<hbm>> -> memref<3200xi32, #tpu.memory_space<hbm>>
        tpu.wait_dma2 semaphore(%run_scoped3A : memref<!tpu.dma_semaphore, #tpu.memory_space<semaphore_mem>>) src(%dma_wait3A_152 : memref<3200xi32, #tpu.memory_space<hbm>>) dst(%arg6 : memref<3200xi32, #tpu.memory_space<vmem>>)
        tpu.yield
      }) : () -> ()
    } else {
    }
    %eq3A = arith.constant 31 : i32
    %eq3A_26 = arith.cmpi eq, %add3A, %eq3A : i32
    %convert_element_type3A_27 = arith.extui %eq3A_26 : i1 to i32
    %cond3A_28 = arith.constant 0 : i32
    %cond3A_29 = arith.cmpi ne, %convert_element_type3A_27, %cond3A_28 : i32
    scf.if %cond3A_29 {
      "tpu.region"() ({
        %run_scoped3A = tpu.sem_alloc : memref<!tpu.dma_semaphore, #tpu.memory_space<semaphore_mem>>
        %dma_start3A_151 = arith.constant 0 : i32
        %dma_start3A_152 = tpu.memref_slice %arg6[%dma_start3A_151] : memref<3200xi32, #tpu.memory_space<vmem>> -> memref<768xi32, #tpu.memory_space<vmem>>
        %dma_start3A_153 = tpu.memref_slice %arg3[%mul3A_2] : memref<100000xi32, #tpu.memory_space<hbm>> -> memref<768xi32, #tpu.memory_space<hbm>>
        %dma_start3A_154 = arith.constant 0 : i32
        %dma_start3A_155 = tpu.memref_slice %arg6[%dma_start3A_154] : memref<3200xi32, #tpu.memory_space<vmem>> -> memref<768xi32, #tpu.memory_space<vmem>>
        %dma_start3A_156 = tpu.memref_slice %arg3[%mul3A_2] : memref<100000xi32, #tpu.memory_space<hbm>> -> memref<768xi32, #tpu.memory_space<hbm>>
        tpu.enqueue_dma source(%dma_start3A_156 : memref<768xi32, #tpu.memory_space<hbm>>) target(%dma_start3A_155 : memref<768xi32, #tpu.memory_space<vmem>>) target_semaphore(%run_scoped3A : memref<!tpu.dma_semaphore, #tpu.memory_space<semaphore_mem>>)
        %dma_wait3A_157 = arith.constant 0 : i32
        %dma_wait3A_158 = tpu.memref_slice %arg6[%dma_wait3A_157] : memref<3200xi32, #tpu.memory_space<vmem>> -> memref<768xi32, #tpu.memory_space<vmem>>
        %dma_wait3A_159 = tpu.memref_slice %arg3[%mul3A_2] : memref<100000xi32, #tpu.memory_space<hbm>> -> memref<768xi32, #tpu.memory_space<hbm>>
        %dma_wait3A_160 = arith.constant 0 : i32
        %dma_wait3A_161 = tpu.memref_slice %arg6[%dma_wait3A_160] : memref<3200xi32, #tpu.memory_space<vmem>> -> memref<768xi32, #tpu.memory_space<vmem>>
        %dma_wait3A_162 = tpu.memref_slice %arg3[%mul3A_2] : memref<100000xi32, #tpu.memory_space<hbm>> -> memref<768xi32, #tpu.memory_space<hbm>>
        tpu.wait_dma2 semaphore(%run_scoped3A : memref<!tpu.dma_semaphore, #tpu.memory_space<semaphore_mem>>) src(%dma_wait3A_162 : memref<768xi32, #tpu.memory_space<hbm>>) dst(%dma_wait3A_161 : memref<768xi32, #tpu.memory_space<vmem>>)
        tpu.yield
      }) : () -> ()
      %add3A_149 = arith.constant 768 : i32
      %add3A_150 = arith.addi %mul3A_2, %add3A_149 : i32
      "tpu.region"() ({
        %run_scoped3A = tpu.sem_alloc : memref<!tpu.dma_semaphore, #tpu.memory_space<semaphore_mem>>
        %dma_start3A_151 = arith.constant 768 : i32
        %dma_start3A_152 = tpu.memref_slice %arg6[%dma_start3A_151] : memref<3200xi32, #tpu.memory_space<vmem>> -> memref<32xi32, #tpu.memory_space<vmem>>
        %dma_start3A_153 = tpu.memref_slice %arg3[%add3A_150] : memref<100000xi32, #tpu.memory_space<hbm>> -> memref<32xi32, #tpu.memory_space<hbm>>
        %dma_start3A_154 = arith.constant 768 : i32
        %dma_start3A_155 = tpu.memref_slice %arg6[%dma_start3A_154] : memref<3200xi32, #tpu.memory_space<vmem>> -> memref<32xi32, #tpu.memory_space<vmem>>
        %dma_start3A_156 = tpu.memref_slice %arg3[%add3A_150] : memref<100000xi32, #tpu.memory_space<hbm>> -> memref<32xi32, #tpu.memory_space<hbm>>
        tpu.enqueue_dma source(%dma_start3A_156 : memref<32xi32, #tpu.memory_space<hbm>>) target(%dma_start3A_155 : memref<32xi32, #tpu.memory_space<vmem>>) target_semaphore(%run_scoped3A : memref<!tpu.dma_semaphore, #tpu.memory_space<semaphore_mem>>)
        %dma_wait3A_157 = arith.constant 768 : i32
        %dma_wait3A_158 = tpu.memref_slice %arg6[%dma_wait3A_157] : memref<3200xi32, #tpu.memory_space<vmem>> -> memref<32xi32, #tpu.memory_space<vmem>>
        %dma_wait3A_159 = tpu.memref_slice %arg3[%add3A_150] : memref<100000xi32, #tpu.memory_space<hbm>> -> memref<32xi32, #tpu.memory_space<hbm>>
        %dma_wait3A_160 = arith.constant 768 : i32
        %dma_wait3A_161 = tpu.memref_slice %arg6[%dma_wait3A_160] : memref<3200xi32, #tpu.memory_space<vmem>> -> memref<32xi32, #tpu.memory_space<vmem>>
        %dma_wait3A_162 = tpu.memref_slice %arg3[%add3A_150] : memref<100000xi32, #tpu.memory_space<hbm>> -> memref<32xi32, #tpu.memory_space<hbm>>
        tpu.wait_dma2 semaphore(%run_scoped3A : memref<!tpu.dma_semaphore, #tpu.memory_space<semaphore_mem>>) src(%dma_wait3A_162 : memref<32xi32, #tpu.memory_space<hbm>>) dst(%dma_wait3A_161 : memref<32xi32, #tpu.memory_space<vmem>>)
        tpu.yield
      }) : () -> ()
    } else {
    }
    "tpu.region"() ({
      %run_scoped3A = tpu.sem_alloc : memref<!tpu.dma_semaphore, #tpu.memory_space<semaphore_mem>>
      tpu.enqueue_dma source(%arg4 : memref<119xf32, #tpu.memory_space<hbm>>) target(%arg8 : memref<119xf32, #tpu.memory_space<vmem>>) target_semaphore(%run_scoped3A : memref<!tpu.dma_semaphore, #tpu.memory_space<semaphore_mem>>)
      tpu.wait_dma2 semaphore(%run_scoped3A : memref<!tpu.dma_semaphore, #tpu.memory_space<semaphore_mem>>) src(%arg4 : memref<119xf32, #tpu.memory_space<hbm>>) dst(%arg8 : memref<119xf32, #tpu.memory_space<vmem>>)
      tpu.yield
    }) : () -> ()
    %get3A = arith.constant 0 : index
    %get3A_30 = tpu.vector_load %arg8[%get3A] {strides = array<i32>} : memref<119xf32, #tpu.memory_space<vmem>>, vector<16xf32>,
    %div3A = arith.constant 1.000000e+00 : f32
    %div3A_31 = vector.broadcast %div3A : f32 to vector<16xf32>
    %div3A_32 = arith.divf %div3A_31, %get3A_30 : vector<16xf32>
    %swap3A = arith.constant 0 : index
    %swap3A_33 = tpu.vector_load %arg9[%swap3A] {strides = array<i32>} : memref<119xf32, #tpu.memory_space<vmem>>, vector<16xf32>,
    tpu.vector_store %arg9[%swap3A], %div3A_32 {strides = array<i32>} : memref<119xf32, #tpu.memory_space<vmem>>, vector<16xf32>,
    %get3A_34 = arith.constant 16 : index
    %get3A_35 = tpu.vector_load %arg8[%get3A_34] {strides = array<i32>} : memref<119xf32, #tpu.memory_space<vmem>>, vector<16xf32>,
    %div3A_36 = arith.constant 1.000000e+00 : f32
    %div3A_37 = vector.broadcast %div3A_36 : f32 to vector<16xf32>
    %div3A_38 = arith.divf %div3A_37, %get3A_35 : vector<16xf32>
    %swap3A_39 = arith.constant 16 : index
    %swap3A_40 = tpu.vector_load %arg9[%swap3A_39] {strides = array<i32>} : memref<119xf32, #tpu.memory_space<vmem>>, vector<16xf32>,
    tpu.vector_store %arg9[%swap3A_39], %div3A_38 {strides = array<i32>} : memref<119xf32, #tpu.memory_space<vmem>>, vector<16xf32>,
    %get3A_41 = arith.constant 32 : index
    %get3A_42 = tpu.vector_load %arg8[%get3A_41] {strides = array<i32>} : memref<119xf32, #tpu.memory_space<vmem>>, vector<16xf32>,
    %div3A_43 = arith.constant 1.000000e+00 : f32
    %div3A_44 = vector.broadcast %div3A_43 : f32 to vector<16xf32>
    %div3A_45 = arith.divf %div3A_44, %get3A_42 : vector<16xf32>
    %swap3A_46 = arith.constant 32 : index
    %swap3A_47 = tpu.vector_load %arg9[%swap3A_46] {strides = array<i32>} : memref<119xf32, #tpu.memory_space<vmem>>, vector<16xf32>,
    tpu.vector_store %arg9[%swap3A_46], %div3A_45 {strides = array<i32>} : memref<119xf32, #tpu.memory_space<vmem>>, vector<16xf32>,
    %get3A_48 = arith.constant 48 : index
    %get3A_49 = tpu.vector_load %arg8[%get3A_48] {strides = array<i32>} : memref<119xf32, #tpu.memory_space<vmem>>, vector<16xf32>,
    %div3A_50 = arith.constant 1.000000e+00 : f32
    %div3A_51 = vector.broadcast %div3A_50 : f32 to vector<16xf32>
    %div3A_52 = arith.divf %div3A_51, %get3A_49 : vector<16xf32>
    %swap3A_53 = arith.constant 48 : index
    %swap3A_54 = tpu.vector_load %arg9[%swap3A_53] {strides = array<i32>} : memref<119xf32, #tpu.memory_space<vmem>>, vector<16xf32>,
    tpu.vector_store %arg9[%swap3A_53], %div3A_52 {strides = array<i32>} : memref<119xf32, #tpu.memory_space<vmem>>, vector<16xf32>,
    %get3A_55 = arith.constant 64 : index
    %get3A_56 = tpu.vector_load %arg8[%get3A_55] {strides = array<i32>} : memref<119xf32, #tpu.memory_space<vmem>>, vector<16xf32>,
    %div3A_57 = arith.constant 1.000000e+00 : f32
    %div3A_58 = vector.broadcast %div3A_57 : f32 to vector<16xf32>
    %div3A_59 = arith.divf %div3A_58, %get3A_56 : vector<16xf32>
    %swap3A_60 = arith.constant 64 : index
    %swap3A_61 = tpu.vector_load %arg9[%swap3A_60] {strides = array<i32>} : memref<119xf32, #tpu.memory_space<vmem>>, vector<16xf32>,
    tpu.vector_store %arg9[%swap3A_60], %div3A_59 {strides = array<i32>} : memref<119xf32, #tpu.memory_space<vmem>>, vector<16xf32>,
    %get3A_62 = arith.constant 80 : index
    %get3A_63 = tpu.vector_load %arg8[%get3A_62] {strides = array<i32>} : memref<119xf32, #tpu.memory_space<vmem>>, vector<16xf32>,
    %div3A_64 = arith.constant 1.000000e+00 : f32
    %div3A_65 = vector.broadcast %div3A_64 : f32 to vector<16xf32>
    %div3A_66 = arith.divf %div3A_65, %get3A_63 : vector<16xf32>
    %swap3A_67 = arith.constant 80 : index
    %swap3A_68 = tpu.vector_load %arg9[%swap3A_67] {strides = array<i32>} : memref<119xf32, #tpu.memory_space<vmem>>, vector<16xf32>,
    tpu.vector_store %arg9[%swap3A_67], %div3A_66 {strides = array<i32>} : memref<119xf32, #tpu.memory_space<vmem>>, vector<16xf32>,
    %get3A_69 = arith.constant 96 : index
    %get3A_70 = tpu.vector_load %arg8[%get3A_69] {strides = array<i32>} : memref<119xf32, #tpu.memory_space<vmem>>, vector<16xf32>,
    %div3A_71 = arith.constant 1.000000e+00 : f32
    %div3A_72 = vector.broadcast %div3A_71 : f32 to vector<16xf32>
    %div3A_73 = arith.divf %div3A_72, %get3A_70 : vector<16xf32>
    %swap3A_74 = arith.constant 96 : index
    %swap3A_75 = tpu.vector_load %arg9[%swap3A_74] {strides = array<i32>} : memref<119xf32, #tpu.memory_space<vmem>>, vector<16xf32>,
    tpu.vector_store %arg9[%swap3A_74], %div3A_73 {strides = array<i32>} : memref<119xf32, #tpu.memory_space<vmem>>, vector<16xf32>,
    %get3A_76 = arith.constant 103 : index
    %get3A_77 = tpu.vector_load %arg8[%get3A_76] {strides = array<i32>} : memref<119xf32, #tpu.memory_space<vmem>>, vector<16xf32>,
    %div3A_78 = arith.constant 1.000000e+00 : f32
    %div3A_79 = vector.broadcast %div3A_78 : f32 to vector<16xf32>
    %div3A_80 = arith.divf %div3A_79, %get3A_77 : vector<16xf32>
    %swap3A_81 = arith.constant 103 : index
    %swap3A_82 = tpu.vector_load %arg9[%swap3A_81] {strides = array<i32>} : memref<119xf32, #tpu.memory_space<vmem>>, vector<16xf32>,
    tpu.vector_store %arg9[%swap3A_81], %div3A_80 {strides = array<i32>} : memref<119xf32, #tpu.memory_space<vmem>>, vector<16xf32>,
    %dma_wait3A = arith.constant 0 : i32
    %dma_wait3A_83 = arith.constant 0 : i32
    %dma_wait3A_84 = tpu.memref_slice %arg7[%dma_wait3A, %dma_wait3A_83] : memref<3x3200xf32, #tpu.memory_space<vmem>> -> memref<3x1664xf32, #tpu.memory_space<vmem>>
    %dma_wait3A_85 = arith.constant 0 : i32
    %dma_wait3A_86 = tpu.memref_slice %arg2[%dma_wait3A_85, %mul3A_2] : memref<3x102400xf32, #tpu.memory_space<hbm>> -> memref<3x1664xf32, #tpu.memory_space<hbm>>
    %dma_wait3A_87 = arith.constant 0 : i32
    %dma_wait3A_88 = arith.constant 0 : i32
    %dma_wait3A_89 = tpu.memref_slice %arg7[%dma_wait3A_87, %dma_wait3A_88] : memref<3x3200xf32, #tpu.memory_space<vmem>> -> memref<3x1664xf32, #tpu.memory_space<vmem>>
    %dma_wait3A_90 = arith.constant 0 : i32
    %dma_wait3A_91 = tpu.memref_slice %arg2[%dma_wait3A_90, %mul3A_2] : memref<3x102400xf32, #tpu.memory_space<hbm>> -> memref<3x1664xf32, #tpu.memory_space<hbm>>
    tpu.wait_dma2 semaphore(%arg10 : memref<!tpu.dma_semaphore, #tpu.memory_space<semaphore_mem>>) src(%dma_wait3A_91 : memref<3x1664xf32, #tpu.memory_space<hbm>>) dst(%dma_wait3A_89 : memref<3x1664xf32, #tpu.memory_space<vmem>>)
    %parallel_loop3A = arith.constant 0 : i32
    %parallel_loop3A_92 = arith.constant 104 : i32
    %parallel_loop3A_93 = arith.constant 1 : i32
    scf.for %parallel_loop3A_149 = %parallel_loop3A to %parallel_loop3A_92 step %parallel_loop3A_93  : i32 {
      %parallel_loop3A_150 = arith.constant 16 : i32
      %parallel_loop3A_151 = arith.muli %parallel_loop3A_149, %parallel_loop3A_150 : i32
      %parallel_loop3A_152 = arith.index_cast %parallel_loop3A_151 : i32 to index
      %parallel_loop3A_153 = tpu.vector_load %arg6[%parallel_loop3A_152] {strides = array<i32>} : memref<3200xi32, #tpu.memory_space<vmem>>, vector<16xi32>,
      %parallel_loop3A_154 = arith.constant 118 : i32
      %parallel_loop3A_155 = vector.broadcast %parallel_loop3A_154 : i32 to vector<16xi32>
      %parallel_loop3A_156 = arith.minsi %parallel_loop3A_153, %parallel_loop3A_155 : vector<16xi32>
      %parallel_loop3A_157 = tpu.vector_load_idx %arg9[%parallel_loop3A_156] : memref<119xf32, #tpu.memory_space<vmem>>[vector<16xi32>], vector<16xf32>,
      %parallel_loop3A_158 = arith.constant 0 : i32
      %parallel_loop3A_159 = arith.index_cast %parallel_loop3A_158 : i32 to index
      %parallel_loop3A_160 = arith.index_cast %parallel_loop3A_151 : i32 to index
      %parallel_loop3A_161 = tpu.vector_load %arg7[%parallel_loop3A_159, %parallel_loop3A_160] {strides = array<i32>} : memref<3x3200xf32, #tpu.memory_space<vmem>>, vector<16xf32>,
      %parallel_loop3A_162 = arith.mulf %parallel_loop3A_161, %parallel_loop3A_157 : vector<16xf32>
      %parallel_loop3A_163 = arith.constant 0 : i32
      %parallel_loop3A_164 = arith.index_cast %parallel_loop3A_163 : i32 to index
      %parallel_loop3A_165 = arith.index_cast %parallel_loop3A_151 : i32 to index
      %parallel_loop3A_166 = tpu.vector_load %arg7[%parallel_loop3A_164, %parallel_loop3A_165] {strides = array<i32>} : memref<3x3200xf32, #tpu.memory_space<vmem>>, vector<16xf32>,
      tpu.vector_store %arg7[%parallel_loop3A_164, %parallel_loop3A_165], %parallel_loop3A_162 {strides = array<i32>} : memref<3x3200xf32, #tpu.memory_space<vmem>>, vector<16xf32>,
      %parallel_loop3A_167 = arith.constant 1 : i32
      %parallel_loop3A_168 = arith.index_cast %parallel_loop3A_167 : i32 to index
      %parallel_loop3A_169 = arith.index_cast %parallel_loop3A_151 : i32 to index
      %parallel_loop3A_170 = tpu.vector_load %arg7[%parallel_loop3A_168, %parallel_loop3A_169] {strides = array<i32>} : memref<3x3200xf32, #tpu.memory_space<vmem>>, vector<16xf32>,
      %parallel_loop3A_171 = arith.mulf %parallel_loop3A_170, %parallel_loop3A_157 : vector<16xf32>
      %parallel_loop3A_172 = arith.constant 1 : i32
      %parallel_loop3A_173 = arith.index_cast %parallel_loop3A_172 : i32 to index
      %parallel_loop3A_174 = arith.index_cast %parallel_loop3A_151 : i32 to index
      %parallel_loop3A_175 = tpu.vector_load %arg7[%parallel_loop3A_173, %parallel_loop3A_174] {strides = array<i32>} : memref<3x3200xf32, #tpu.memory_space<vmem>>, vector<16xf32>,
      tpu.vector_store %arg7[%parallel_loop3A_173, %parallel_loop3A_174], %parallel_loop3A_171 {strides = array<i32>} : memref<3x3200xf32, #tpu.memory_space<vmem>>, vector<16xf32>,
      %parallel_loop3A_176 = arith.constant 2 : i32
      %parallel_loop3A_177 = arith.index_cast %parallel_loop3A_176 : i32 to index
      %parallel_loop3A_178 = arith.index_cast %parallel_loop3A_151 : i32 to index
      %parallel_loop3A_179 = tpu.vector_load %arg7[%parallel_loop3A_177, %parallel_loop3A_178] {strides = array<i32>} : memref<3x3200xf32, #tpu.memory_space<vmem>>, vector<16xf32>,
      %parallel_loop3A_180 = arith.mulf %parallel_loop3A_179, %parallel_loop3A_157 : vector<16xf32>
      %parallel_loop3A_181 = arith.constant 2 : i32
      %parallel_loop3A_182 = arith.index_cast %parallel_loop3A_181 : i32 to index
      %parallel_loop3A_183 = arith.index_cast %parallel_loop3A_151 : i32 to index
      %parallel_loop3A_184 = tpu.vector_load %arg7[%parallel_loop3A_182, %parallel_loop3A_183] {strides = array<i32>} : memref<3x3200xf32, #tpu.memory_space<vmem>>, vector<16xf32>,
      tpu.vector_store %arg7[%parallel_loop3A_182, %parallel_loop3A_183], %parallel_loop3A_180 {strides = array<i32>} : memref<3x3200xf32, #tpu.memory_space<vmem>>, vector<16xf32>,
    } {sc.loop_unroll_factor = 8 : i64, sc.parallel_access}
    %dma_start3A_94 = arith.constant 0 : i32
    %dma_start3A_95 = arith.constant 0 : i32
    %dma_start3A_96 = tpu.memref_slice %arg7[%dma_start3A_94, %dma_start3A_95] : memref<3x3200xf32, #tpu.memory_space<vmem>> -> memref<3x1664xf32, #tpu.memory_space<vmem>>
    %dma_start3A_97 = arith.constant 0 : i32
    %dma_start3A_98 = tpu.memref_slice %arg5[%dma_start3A_97, %mul3A_2] : memref<3x102400xf32, #tpu.memory_space<hbm>> -> memref<3x1664xf32, #tpu.memory_space<hbm>>
    %dma_start3A_99 = arith.constant 0 : i32
    %dma_start3A_100 = tpu.memref_slice %arg5[%dma_start3A_99, %mul3A_2] : memref<3x102400xf32, #tpu.memory_space<hbm>> -> memref<3x1664xf32, #tpu.memory_space<hbm>>
    %dma_start3A_101 = arith.constant 0 : i32
    %dma_start3A_102 = arith.constant 0 : i32
    %dma_start3A_103 = tpu.memref_slice %arg7[%dma_start3A_101, %dma_start3A_102] : memref<3x3200xf32, #tpu.memory_space<vmem>> -> memref<3x1664xf32, #tpu.memory_space<vmem>>
    tpu.enqueue_dma source(%dma_start3A_103 : memref<3x1664xf32, #tpu.memory_space<vmem>>) target(%dma_start3A_100 : memref<3x1664xf32, #tpu.memory_space<hbm>>) target_semaphore(%arg12 : memref<!tpu.dma_semaphore, #tpu.memory_space<semaphore_mem>>)
    %dma_wait3A_104 = arith.constant 0 : i32
    %dma_wait3A_105 = arith.constant 1664 : i32
    %dma_wait3A_106 = tpu.memref_slice %arg7[%dma_wait3A_104, %dma_wait3A_105] : memref<3x3200xf32, #tpu.memory_space<vmem>> -> memref<3x1536xf32, #tpu.memory_space<vmem>>
    %dma_wait3A_107 = arith.constant 0 : i32
    %dma_wait3A_108 = tpu.memref_slice %arg2[%dma_wait3A_107, %add3A_13] : memref<3x102400xf32, #tpu.memory_space<hbm>> -> memref<3x1536xf32, #tpu.memory_space<hbm>>
    %dma_wait3A_109 = arith.constant 0 : i32
    %dma_wait3A_110 = arith.constant 1664 : i32
    %dma_wait3A_111 = tpu.memref_slice %arg7[%dma_wait3A_109, %dma_wait3A_110] : memref<3x3200xf32, #tpu.memory_space<vmem>> -> memref<3x1536xf32, #tpu.memory_space<vmem>>
    %dma_wait3A_112 = arith.constant 0 : i32
    %dma_wait3A_113 = tpu.memref_slice %arg2[%dma_wait3A_112, %add3A_13] : memref<3x102400xf32, #tpu.memory_space<hbm>> -> memref<3x1536xf32, #tpu.memory_space<hbm>>
    tpu.wait_dma2 semaphore(%arg11 : memref<!tpu.dma_semaphore, #tpu.memory_space<semaphore_mem>>) src(%dma_wait3A_113 : memref<3x1536xf32, #tpu.memory_space<hbm>>) dst(%dma_wait3A_111 : memref<3x1536xf32, #tpu.memory_space<vmem>>)
    %parallel_loop3A_114 = arith.constant 104 : i32
    %parallel_loop3A_115 = arith.constant 200 : i32
    %parallel_loop3A_116 = arith.constant 1 : i32
    scf.for %parallel_loop3A_149 = %parallel_loop3A_114 to %parallel_loop3A_115 step %parallel_loop3A_116  : i32 {
      %parallel_loop3A_150 = arith.constant 16 : i32
      %parallel_loop3A_151 = arith.muli %parallel_loop3A_149, %parallel_loop3A_150 : i32
      %parallel_loop3A_152 = arith.index_cast %parallel_loop3A_151 : i32 to index
      %parallel_loop3A_153 = tpu.vector_load %arg6[%parallel_loop3A_152] {strides = array<i32>} : memref<3200xi32, #tpu.memory_space<vmem>>, vector<16xi32>,
      %parallel_loop3A_154 = arith.constant 118 : i32
      %parallel_loop3A_155 = vector.broadcast %parallel_loop3A_154 : i32 to vector<16xi32>
      %parallel_loop3A_156 = arith.minsi %parallel_loop3A_153, %parallel_loop3A_155 : vector<16xi32>
      %parallel_loop3A_157 = tpu.vector_load_idx %arg9[%parallel_loop3A_156] : memref<119xf32, #tpu.memory_space<vmem>>[vector<16xi32>], vector<16xf32>,
      %parallel_loop3A_158 = arith.constant 0 : i32
      %parallel_loop3A_159 = arith.index_cast %parallel_loop3A_158 : i32 to index
      %parallel_loop3A_160 = arith.index_cast %parallel_loop3A_151 : i32 to index
      %parallel_loop3A_161 = tpu.vector_load %arg7[%parallel_loop3A_159, %parallel_loop3A_160] {strides = array<i32>} : memref<3x3200xf32, #tpu.memory_space<vmem>>, vector<16xf32>,
      %parallel_loop3A_162 = arith.mulf %parallel_loop3A_161, %parallel_loop3A_157 : vector<16xf32>
      %parallel_loop3A_163 = arith.constant 0 : i32
      %parallel_loop3A_164 = arith.index_cast %parallel_loop3A_163 : i32 to index
      %parallel_loop3A_165 = arith.index_cast %parallel_loop3A_151 : i32 to index
      %parallel_loop3A_166 = tpu.vector_load %arg7[%parallel_loop3A_164, %parallel_loop3A_165] {strides = array<i32>} : memref<3x3200xf32, #tpu.memory_space<vmem>>, vector<16xf32>,
      tpu.vector_store %arg7[%parallel_loop3A_164, %parallel_loop3A_165], %parallel_loop3A_162 {strides = array<i32>} : memref<3x3200xf32, #tpu.memory_space<vmem>>, vector<16xf32>,
      %parallel_loop3A_167 = arith.constant 1 : i32
      %parallel_loop3A_168 = arith.index_cast %parallel_loop3A_167 : i32 to index
      %parallel_loop3A_169 = arith.index_cast %parallel_loop3A_151 : i32 to index
      %parallel_loop3A_170 = tpu.vector_load %arg7[%parallel_loop3A_168, %parallel_loop3A_169] {strides = array<i32>} : memref<3x3200xf32, #tpu.memory_space<vmem>>, vector<16xf32>,
      %parallel_loop3A_171 = arith.mulf %parallel_loop3A_170, %parallel_loop3A_157 : vector<16xf32>
      %parallel_loop3A_172 = arith.constant 1 : i32
      %parallel_loop3A_173 = arith.index_cast %parallel_loop3A_172 : i32 to index
      %parallel_loop3A_174 = arith.index_cast %parallel_loop3A_151 : i32 to index
      %parallel_loop3A_175 = tpu.vector_load %arg7[%parallel_loop3A_173, %parallel_loop3A_174] {strides = array<i32>} : memref<3x3200xf32, #tpu.memory_space<vmem>>, vector<16xf32>,
      tpu.vector_store %arg7[%parallel_loop3A_173, %parallel_loop3A_174], %parallel_loop3A_171 {strides = array<i32>} : memref<3x3200xf32, #tpu.memory_space<vmem>>, vector<16xf32>,
      %parallel_loop3A_176 = arith.constant 2 : i32
      %parallel_loop3A_177 = arith.index_cast %parallel_loop3A_176 : i32 to index
      %parallel_loop3A_178 = arith.index_cast %parallel_loop3A_151 : i32 to index
      %parallel_loop3A_179 = tpu.vector_load %arg7[%parallel_loop3A_177, %parallel_loop3A_178] {strides = array<i32>} : memref<3x3200xf32, #tpu.memory_space<vmem>>, vector<16xf32>,
      %parallel_loop3A_180 = arith.mulf %parallel_loop3A_179, %parallel_loop3A_157 : vector<16xf32>
      %parallel_loop3A_181 = arith.constant 2 : i32
      %parallel_loop3A_182 = arith.index_cast %parallel_loop3A_181 : i32 to index
      %parallel_loop3A_183 = arith.index_cast %parallel_loop3A_151 : i32 to index
      %parallel_loop3A_184 = tpu.vector_load %arg7[%parallel_loop3A_182, %parallel_loop3A_183] {strides = array<i32>} : memref<3x3200xf32, #tpu.memory_space<vmem>>, vector<16xf32>,
      tpu.vector_store %arg7[%parallel_loop3A_182, %parallel_loop3A_183], %parallel_loop3A_180 {strides = array<i32>} : memref<3x3200xf32, #tpu.memory_space<vmem>>, vector<16xf32>,
    } {sc.loop_unroll_factor = 8 : i64, sc.parallel_access}
    %add3A_117 = arith.constant 1664 : i32
    %add3A_118 = arith.addi %mul3A_2, %add3A_117 : i32
    %dma_start3A_119 = arith.constant 0 : i32
    %dma_start3A_120 = arith.constant 1664 : i32
    %dma_start3A_121 = tpu.memref_slice %arg7[%dma_start3A_119, %dma_start3A_120] : memref<3x3200xf32, #tpu.memory_space<vmem>> -> memref<3x1536xf32, #tpu.memory_space<vmem>>
    %dma_start3A_122 = arith.constant 0 : i32
    %dma_start3A_123 = tpu.memref_slice %arg5[%dma_start3A_122, %add3A_118] : memref<3x102400xf32, #tpu.memory_space<hbm>> -> memref<3x1536xf32, #tpu.memory_space<hbm>>
    %dma_start3A_124 = arith.constant 0 : i32
    %dma_start3A_125 = tpu.memref_slice %arg5[%dma_start3A_124, %add3A_118] : memref<3x102400xf32, #tpu.memory_space<hbm>> -> memref<3x1536xf32, #tpu.memory_space<hbm>>
    %dma_start3A_126 = arith.constant 0 : i32
    %dma_start3A_127 = arith.constant 1664 : i32
    %dma_start3A_128 = tpu.memref_slice %arg7[%dma_start3A_126, %dma_start3A_127] : memref<3x3200xf32, #tpu.memory_space<vmem>> -> memref<3x1536xf32, #tpu.memory_space<vmem>>
    tpu.enqueue_dma source(%dma_start3A_128 : memref<3x1536xf32, #tpu.memory_space<vmem>>) target(%dma_start3A_125 : memref<3x1536xf32, #tpu.memory_space<hbm>>) target_semaphore(%arg13 : memref<!tpu.dma_semaphore, #tpu.memory_space<semaphore_mem>>)
    %dma_wait3A_129 = arith.constant 0 : i32
    %dma_wait3A_130 = arith.constant 0 : i32
    %dma_wait3A_131 = tpu.memref_slice %arg7[%dma_wait3A_129, %dma_wait3A_130] : memref<3x3200xf32, #tpu.memory_space<vmem>> -> memref<3x1664xf32, #tpu.memory_space<vmem>>
    %dma_wait3A_132 = arith.constant 0 : i32
    %dma_wait3A_133 = tpu.memref_slice %arg5[%dma_wait3A_132, %mul3A_2] : memref<3x102400xf32, #tpu.memory_space<hbm>> -> memref<3x1664xf32, #tpu.memory_space<hbm>>
    %dma_wait3A_134 = arith.constant 0 : i32
    %dma_wait3A_135 = tpu.memref_slice %arg5[%dma_wait3A_134, %mul3A_2] : memref<3x102400xf32, #tpu.memory_space<hbm>> -> memref<3x1664xf32, #tpu.memory_space<hbm>>
    %dma_wait3A_136 = arith.constant 0 : i32
    %dma_wait3A_137 = arith.constant 0 : i32
    %dma_wait3A_138 = tpu.memref_slice %arg7[%dma_wait3A_136, %dma_wait3A_137] : memref<3x3200xf32, #tpu.memory_space<vmem>> -> memref<3x1664xf32, #tpu.memory_space<vmem>>
    tpu.wait_dma2 semaphore(%arg12 : memref<!tpu.dma_semaphore, #tpu.memory_space<semaphore_mem>>) src(%dma_wait3A_138 : memref<3x1664xf32, #tpu.memory_space<vmem>>) dst(%dma_wait3A_135 : memref<3x1664xf32, #tpu.memory_space<hbm>>)
    %dma_wait3A_139 = arith.constant 0 : i32
    %dma_wait3A_140 = arith.constant 1664 : i32
    %dma_wait3A_141 = tpu.memref_slice %arg7[%dma_wait3A_139, %dma_wait3A_140] : memref<3x3200xf32, #tpu.memory_space<vmem>> -> memref<3x1536xf32, #tpu.memory_space<vmem>>
    %dma_wait3A_142 = arith.constant 0 : i32
    %dma_wait3A_143 = tpu.memref_slice %arg5[%dma_wait3A_142, %add3A_118] : memref<3x102400xf32, #tpu.memory_space<hbm>> -> memref<3x1536xf32, #tpu.memory_space<hbm>>
    %dma_wait3A_144 = arith.constant 0 : i32
    %dma_wait3A_145 = tpu.memref_slice %arg5[%dma_wait3A_144, %add3A_118] : memref<3x102400xf32, #tpu.memory_space<hbm>> -> memref<3x1536xf32, #tpu.memory_space<hbm>>
    %dma_wait3A_146 = arith.constant 0 : i32
    %dma_wait3A_147 = arith.constant 1664 : i32
    %dma_wait3A_148 = tpu.memref_slice %arg7[%dma_wait3A_146, %dma_wait3A_147] : memref<3x3200xf32, #tpu.memory_space<vmem>> -> memref<3x1536xf32, #tpu.memory_space<vmem>>
    tpu.wait_dma2 semaphore(%arg13 : memref<!tpu.dma_semaphore, #tpu.memory_space<semaphore_mem>>) src(%dma_wait3A_148 : memref<3x1536xf32, #tpu.memory_space<vmem>>) dst(%dma_wait3A_145 : memref<3x1536xf32, #tpu.memory_space<hbm>>)
    return
  }
}

</mosaic_0001>

<sc_bundles>
// kernel: kernel.3.cloned.1.call-start
scs
__scs_entry_jumppad:
0x0: {  	(pc) =	sbr.rel $0x88, $3  }
0x1: {  	(tag) =	ssettag $0x0;
	lr =	simm.s32 $0x1  }
0x2: {  	[smem:$0x3F9E] =	sst lr;
	_ =	strace $0xD0000000  }
0x3: {  	_ = 	snop  }
0x4: {  	_ = 	snop  }
0x5: {  	_ = 	snop  }
0x6: {  	_ = 	snop  }
0x7: {  	_ = 	snop  }
__scs_overlays_trampoline_lowered:
0x8: {  	[smem:$0x3FAD] =	sst s0  }
0x9: {  	[smem:$0x3FAE] =	sst s1  }
0xa: {  	[smem:$0x3FAF] =	sst s2  }
0xb: {  	[smem:$0x3FB0] =	sst s3  }
0xc: {  	[smem:$0x3FB1] =	sst s4  }
0xd: {  	[smem:$0x3FB2] =	sst s5  }
0xe: {  	[smem:$0x3FB3] =	sst s6  }
0xf: {  	[smem:$0x3FB4] =	sst s7  }
0x10: {  	[smem:$0x3FB5] =	sst s8  }
0x11: {  	[smem:$0x3FB6] =	sst s9;
	s0 =	simm.s32 @!p0 $0x0  }
0x12: {  	s1 =	sld [smem:$0x3F9C];
	s0 =	simm.s32 @p0 $0x1  }
0x13: {  	[smem:$0x3FB7] =	sst s0;
	s0 =	simm.s32 @!p1 $0x0  }
0x14: {  	s2 =	sld [smem:$0x3F9B];
	s0 =	simm.s32 @p1 $0x1  }
0x15: {  	[smem:$0x3FB8] =	sst s0;
	s0 =	simm.s32 @!p2 $0x0  }
0x16: {  	s3 =	sld [smem:$0x3FDB];
	s0 =	simm.s32 @p2 $0x1  }
0x17: {  	s4 =	simm.s32 $0x1BF5;
	[smem:$0x3FBA] =	sst s0  }
0x18: {  	s0 =	sld [smem:$0x3F9D];
	_ =	swait.ge [sflag:s4], $0x0  }
0x19: {  	s7 =	sld [smem:$0x3F9E]  }
0x1a: {  	s8 =	sadd.s32 $0xFFFFE003, lr  }
0x1b: {  	s9 =	sadd.s32 $0xFFFFFEF7, lr;
	s5 =	simm.s32 $0xFFFFFFFF;
	p2 =	slt.u32 s8, $0xFFFFF086  }
0x1c: {  	p1 =	slt.u32 s9, $0xF7A;
	s5 =	simm.s32 @!p2 $0x0  }
0x1d: {  	s5 =	simm.s32 @p1 $0x1;
	p0 =	seq.s32 s7, s2  }
0x1e: {  	s7 =	smul.u32 @!p0 $0xF7A, s2;
	p2 =	seq.s32 @!p0 s5, $0x0  }
0x1f: {  	s9 =	smul.u32 $0xF7A, s1;
	s8 =	simm.s32 @!p0 $0x1BF5;
	p2 =	por !p2, p0  }
0x20: {  	[sflag:s8] =	ssyncset.s32 @!p0 $0xFFFFF086;
	s6 =	sadd.s32 @!p0 s3, s7;
	s7 =	simm.s32 @!p0 $0x108  }
0x21: {  	s3 =	sadd.s32 s3, s9;
	s6 =	sadd.s32 @!p0 $0x88, s6;
	s7 =	simm.s32 @p2 $0x1082  }
0x22: {  	[simem:s7], [sflag:s8] =	dma.local @!p0 [hbm:s6], $0xF7A  }
0x23: {  	s9 =	sor.u32 $0xD0000000, s2;
	s6 =	simm.s32 $0x108;
	_ =	swait.ge @!p0 [sflag:s8], $0x0  }
0x24: {  	s3 =	sadd.s32 $0x88, s3;
	s6 =	simm.s32 @!p1 $0x1082;
	[sflag:s4] =	ssyncset.s32 $0xFFFFF086  }
0x25: {  	[simem:s6], [sflag:s4] =	dma.local [hbm:s3], $0xF7A  }
0x26: {  	[smem:$0x3F9E] =	sst s1;
	(tag) =	ssettag s2;
	_ =	strace s9  }
0x27: {  	s1 =	sld [smem:$0x3FAE]  }
0x28: {  	s2 =	sld [smem:$0x3FAF]  }
0x29: {  	s4 =	sld [smem:$0x3FB1]  }
0x2a: {  	p0 =	seq.s32 s5, $0x0;
	s5 =	sld [smem:$0x3FB2]  }
0x2b: {  	s6 =	sld [smem:$0x3FB3]  }
0x2c: {  	s7 =	sld [smem:$0x3FB4]  }
0x2d: {  	s3 =	simm.s32 $0x108;
	s8 =	sld [smem:$0x3FB5]  }
0x2e: {  	s3 =	simm.s32 @!p0 $0x1082;
	s9 =	sld [smem:$0x3FB6]  }
0x2f: {  	lr =	sadd.s32 s0, s3;
	s0 =	sld [smem:$0x3FAD]  }
0x30: {  	s3 =	sld [smem:$0x3FB0]  }
0x31: {  	[smem:$0x3FB9] =	sst s10  }
0x32: {  	s10 =	sld [smem:$0x3FB7];
	_ =	sdelay $0x3  }
0x33: {  	p0 =	seq.s32 s10, $0x1;
	s10 =	sld [smem:$0x3FB9];
	_ =	sdelay $0x3  }
0x34: {  	[smem:$0x3FB9] =	sst s10  }
0x35: {  	s10 =	sld [smem:$0x3FB8];
	_ =	sdelay $0x3  }
0x36: {  	p1 =	seq.s32 s10, $0x1;
	s10 =	sld [smem:$0x3FB9];
	_ =	sdelay $0x3  }
0x37: {  	[smem:$0x3FB9] =	sst s10  }
0x38: {  	s10 =	sld [smem:$0x3FBA]  }
0x39: {  	_ = 	snop;
	(pc) =	sbr.ind lr, $3  }
0x3a: {  	_ = 	snop  }
0x3b: {  	_ = 	snop  }
0x3c: {  	p2 =	seq.s32 s10, $0x1;
	s10 =	sld [smem:$0x3FB9]  }
0x3d: {  	_ =	shalt  }
0x3e: {  	_ =	shalt  }
0x3f: {  	_ =	shalt  }
0x40: {  	_ =	shalt  }
0x41: {  	_ =	shalt  }
0x42: {  	_ =	shalt  }
0x43: {  	_ =	shalt  }
0x44: {  	_ =	shalt  }
0x45: {  	_ =	shalt  }
0x46: {  	_ =	shalt  }
0x47: {  	_ =	shalt  }
0x48: {  	_ =	shalt  }
0x49: {  	_ =	shalt  }
0x4a: {  	_ =	shalt  }
0x4b: {  	_ =	shalt  }
0x4c: {  	_ =	shalt  }
0x4d: {  	_ =	shalt  }
0x4e: {  	_ =	shalt  }
0x4f: {  	_ =	shalt  }
0x50: {  	_ =	shalt  }
0x51: {  	_ =	shalt  }
0x52: {  	_ =	shalt  }
0x53: {  	_ =	shalt  }
0x54: {  	_ =	shalt  }
0x55: {  	_ =	shalt  }
0x56: {  	_ =	shalt  }
0x57: {  	_ =	shalt  }
0x58: {  	_ =	shalt  }
0x59: {  	_ =	shalt  }
0x5a: {  	_ =	shalt  }
0x5b: {  	_ =	shalt  }
0x5c: {  	_ =	shalt  }
0x5d: {  	_ =	shalt  }
0x5e: {  	_ =	shalt  }
0x5f: {  	_ =	shalt  }
0x60: {  	_ =	shalt  }
0x61: {  	_ =	shalt  }
0x62: {  	_ =	shalt  }
0x63: {  	_ =	shalt  }
0x64: {  	_ =	shalt  }
0x65: {  	_ =	shalt  }
0x66: {  	_ =	shalt  }
0x67: {  	_ =	shalt  }
0x68: {  	_ =	shalt  }
0x69: {  	_ =	shalt  }
0x6a: {  	_ =	shalt  }
0x6b: {  	_ =	shalt  }
0x6c: {  	_ =	shalt  }
0x6d: {  	_ =	shalt  }
0x6e: {  	_ =	shalt  }
0x6f: {  	_ =	shalt  }
0x70: {  	_ =	shalt  }
0x71: {  	_ =	shalt  }
0x72: {  	_ =	shalt  }
0x73: {  	_ =	shalt  }
0x74: {  	_ =	shalt  }
0x75: {  	_ =	shalt  }
0x76: {  	_ =	shalt  }
0x77: {  	_ =	shalt  }
0x78: {  	_ =	shalt  }
0x79: {  	_ =	shalt  }
0x7a: {  	_ =	shalt  }
0x7b: {  	_ =	shalt  }
0x7c: {  	_ =	shalt  }
0x7d: {  	_ =	shalt  }
0x7e: {  	_ =	shalt  }
0x7f: {  	_ =	shalt  }
0x80: {  	_ =	shalt  }
0x81: {  	_ =	shalt  }
0x82: {  	_ =	shalt  }
0x83: {  	_ =	shalt  }
0x84: {  	_ =	shalt  }
0x85: {  	_ =	shalt  }
0x86: {  	_ =	shalt  }
0x87: {  	_ =	shalt  }
.Lfunc_end0:
.L_simem_size_0:
called_computation_lowered:
.L_overlay_start_0:
0x88: {  	s2 =	sld [smem:$0x3FD9]  }
0x89: {  	s3 =	sld [smem:$0x3FFE];
	_ =	sdelay $0x1  }
0x8a: {  	s1 =	srdreg.scid  }
0x8b: {  	s0 =	sand.u32 $0x1, s1  }
0x8c: {  	s17 =	sshll.u32 s0, $0xA;
	s2 =	sadd.s32 s3, s2  }
0x8d: {  	s2 =	sadd.s32 s2, s17  }
0x8e: {  	[smem:$0x3FC5] =	sst s2  }
0x8f: {  	_ = 	snop  }
0x90: {  	s2 =	sld [smem:$0x3FC8]  }
0x91: {  	s18 =	sld [smem:$0x3FC7];
	(tm) =	ssettm $0x1  }
0x92: {  	s4 =	sld [smem:$0x3FFB];
	_ =	sdelay $0x3  }
0x93: {  	_ =	strace s4  }
0x94: {  	s4 =	sld [smem:$0x3FFC];
	_ =	sdelay $0x3  }
0x95: {  	_ =	strace s4  }
0x96: {  	s4 =	sld [smem:$0x3FFD];
	_ =	sdelay $0x3  }
0x97: {  	_ =	strace s4  }
0x98: {  	_ =	strace $0x8FFFFFFF  }
0x99: {  	s19 =	sld [smem:$0x3FDB];
	_ =	sdelay $0x1  }
0x9a: {  	s5 =	simm.s32 $_scs_section_size  }
0x9b: {  	s6 =	simm.s32 $_size__tile_overlayer_lowered;
	s7 =	simm.s32 $_tile_overlayer_lowered  }
0x9c: {  	s22 =	simm.s32 $0x1BFF;
	s21 =	sshll.u32 s7, $0x1;
	s4 =	sadd.s32 s5, s19  }
0x9d: {  	s8 =	simm.s32 $0x0;
	s20 =	sshll.u32 s6, $0x1;
	s6 =	sadd.s32 s21, s4  }
0x9e: {  	[timem:s8], [sflag:s22] =	dma.local [hbm:s6], s20  }
0x9f: {  	_ =	swait.ge [sflag:s22], s20  }
0xa0: {  	s5 =	ssub.s32 $0x0, s20;
	[sflag:s22] =	ssyncset.done $0x0  }
0xa1: {  	[sflag:s22] =	ssyncadd.s32 s5;
	_ =	sdelay $0x1  }
0xa2: {  	s23 =	simm.s32 $0x1B8B  }
0xa3: {  	_ =	swait.ge [sflag:s23], $0x1  }
0xa4: {  	[sflag:s23] =	ssyncset.done $0x0  }
0xa5: {  	s25 =	simm.s32 $0x1B8E;
	s24 =	sld [smem:$0x3FFE];
	[sflag:s23] =	ssyncadd.s32 $0xFFFFFFFF  }
0xa6: {  	s26 =	simm.s32 $execute0_lowered;
	[smem:$0x3FD2] =	sst s25  }
0xa7: {  	s6 =	sshll.u32 s26, $0x1;
	_ =	strace $0x80000046;
	[dreg:$0x1] =	wrdreg $0xFFFFFFFF  }
0xa8: {  	s28 =	simm.s32 $_size_execute0_lowered;
	s4 =	sadd.s32 s4, s6;
	[dreg:$0x0] =	wrdreg $0x0  }
0xa9: {  	s6 =	sshll.u32 s28, $0x1;
	[dreg:$0x2] =	wrdreg s4  }
0xaa: {  	[dreg:$0x3] =	wrdreg s6  }
0xab: {  	[dreg:$0x4] =	wrdreg $0xC0  }
0xac: {  	_ =	task [dreg:s8], $0x5FFFF  }
0xad: {  	[dreg:$0x1] =	wrdreg $0xFFFFFFFF  }
0xae: {  	[dreg:$0x0] =	wrdreg $0x60  }
0xaf: {  	[dreg:$0x2] =	wrdreg s24  }
0xb0: {  	[dreg:$0x3] =	wrdreg s2  }
0xb1: {  	[dreg:$0x4] =	wrdreg s18  }
0xb2: {  	[dreg:$0x5] =	wrdreg $0x9  }
0xb3: {  	_ =	task.clear_ibuf [dreg:s8], $0x6FFFF;
	_ =	strace $0x90000046  }
0xb4: {  	s29 =	simm.s32 $0x9;
	_ =	strace $0x80000048  }
0xb5: {  	_ =	swait.ge [sflag:s29], $0x1  }
0xb6: {  	[sflag:s29] =	ssyncadd.s32 $0xFFFFFFFF  }
0xb7: {  	_ =	strace $0x90000048  }
0xb8: {  	_ =	sfence  }
0xb9: {  	s30 =	sld [smem:$0x0];
	_ =	sdelay $0x2  }
0xba: {  	s31 =	sshll.u32 s1, $0xD;
	s1 =	sshrl.u32 s1, $0x2  }
0xbb: {  	s3 =	sand.u32 $0x4000, s31;
	s1 =	sadd.s32 s1, s30  }
0xbc: {  	s0 =	sor.u32 s3, s0;
	s1 =	sshll.u32 s1, $0x11  }
0xbd: {  	s0 =	sor.u32 s1, s0  }
0xbe: {  	s0 =	sadd.s32 $0x8F2B, s0  }
0xbf: {  	[sflag:s0] =	ssyncadd.remote.s32 $0x1  }
0xc0: {  	_ =	sfence.sel $0xFFFF  }
0xc1: {  	[dreg:$0x0] =	wrdreg $0xFFFFFFFF;
	(pc) =	sbr.abs _section_cstart, $3  }
0xc2: {  	[dreg:$0x1] =	wrdreg $0xFFFFFFFF  }
0xc3: {  	_ =	task.clear_ibuf [dreg:s8], $0x2FFFF;
	_ =	strace $0x9FFFFFFF  }
0xc4: {  	(tm) =	ssettm $0x7FFFFFFF  }
0xc5: {  	_ =	shalt  }
tec
execute0_lowered:
.L_overlay_start_1:
0x0: {  	(tag) =	ssettag $0x1  }
0x1: {  	s4 =	rddreg [dreg:$0x0]  }
0x2: {  	s8 =	rddreg [dreg:$0x1]  }
0x3: {  	s2 =	rddreg [dreg:$0x2]  }
0x4: {  	s0 =	rddreg [dreg:$0x3];
	s5 =	srdreg.scid  }
0x5: {  	s1 =	stileid.u32;
	s3 =	simm.s32 $0x0;
	s15 =	simm.s32 $0x5  }
0x6: {  	s16 =	simm.s32 $0x1;
	s17 =	simm.s32 $0x3F00;
	s18 =	simm.s32 $0x2  }
0x7: {  	s19 =	simm.s32 $0x3;
	s5 =	sand.u32 $0x1, s5;
	s6 =	sshll.u32 s1, $0x1  }
0x8: {  	s20 =	simm.s32 $0x4;
	s21 =	simm.s32 $0x0;
	s12 =	sor.u32 s5, s6  }
0x9: {  	[smem:$0x7FF] =	sst s3;
	s30 =	sadd.s32 $0x400, s4;
	s7 =	smul.u32 $0x3200, s12  }
0xa: {  	s10 =	sadd.s32 $0xCC00, s4;
	s31 =	ssub.s32 $0x2, s5;
	s9 =	smul.u32 $0x640, s12  }
0xb: {  	_ =	strace $0x80000047;
	s5 =	sshrl.u32 s31, $0x1;
	s11 =	smul.u32 $0x190, s12  }
0xc: {  	p0 =	seq.s32 s12, $0x1F;
	s12 =	simm.s32 $0xC80;
	s13 =	ssub.s32 s31, s5  }
0xd: {  	s7 =	sshrl.u32 s7, $0x3;
	s4 =	sadd.s32 s30, s9;
	s6 =	sadd.s32 s8, s11  }
0xe: {  	s9 =	sadd.s32 s10, s9;
	s11 =	smax.u32 s13, $0x1;
	s13 =	simm.s32 $0x2680  }
0xf: {  	s14 =	sadd.s32 $0x340, s7;
	s7 =	sadd.s32 $0x3070, s8;
	s8 =	sadd.s32 $0x30D0, s8  }
0x10: {  	s5 =	sadd.s32 s30, s14;
	s10 =	sadd.s32 s10, s14;
	s14 =	simm.s32 $0x3E80  }
.LBB2_1:
0x11: {  	[tilespmem:s12], [sflag:$0x1] =	stream.linear.gather [hbm4b:s4+s3], $0x1A00, $0x38;
	[tilespmem:$0x3F80] =	vst v63  }
0x12: {  	_ = 	snop  }
0x13: {  	[tilespmem:s13], [sflag:$0x2] =	stream.linear.gather [hbm4b:s5+s3], $0x1800, $0x38;
	[tilespmem:$0x3F80] =	vst v63  }
0x14: {  	s22 =	simm.s32 @p0 $0x0;
	s23 =	simm.s32 @p0 $0x5  }
0x15: {  	[tilespmem:s22], [sflag:$0x5] =	stream.linear.gather @p0 [hbm4b:s7+s22], $0x300, $0x38;
	[tilespmem:$0x3F80] =	vst v63  }
0x16: {  	_ =	swait.ge @p0 [sflag:s23], $0x300  }
0x17: {  	[sflag:s23] =	ssyncset.done @p0 $0x0  }
0x18: {  	s24 =	simm.s32 @p0 $0x300;
	[sflag:s23] =	ssyncadd.s32 @p0 $0xFFFFFD00  }
0x19: {  	[tilespmem:s24], [sflag:$0x5] =	stream.linear.gather @p0 [hbm4b:s8+s22], $0x20, $0x38;
	[tilespmem:$0x3F80] =	vst v63  }
0x1a: {  	_ =	swait.ge @p0 [sflag:s23], $0x20  }
0x1b: {  	[sflag:s23] =	ssyncset.done @p0 $0x0  }
0x1c: {  	s22 =	simm.s32 @!p0 $0x0;
	[sflag:s23] =	ssyncadd.s32 @p0 $0xFFFFFFE0  }
0x1d: {  	[tilespmem:s22], [sflag:$0x5] =	stream.linear.gather @!p0 [hbm4b:s6+s22], $0xC80, $0x38;
	[tilespmem:$0x3F80] =	vst v63  }
0x1e: {  	s22 =	simm.s32 @!p0 $0x5  }
0x1f: {  	_ =	swait.ge @!p0 [sflag:s22], $0xC80  }
0x20: {  	[sflag:s22] =	ssyncset.done @!p0 $0x0  }
0x21: {  	[sflag:s22] =	ssyncadd.s32 @!p0 $0xFFFFF380  }
0x22: {  	[tilespmem:s14], [sflag:$0x5] =	stream.linear.gather [hbm4b:s2+s3], $0x80, $0x38;
	[tilespmem:$0x3F80] =	vst v63  }
0x23: {  	_ =	swait.ge [sflag:s15], $0x80  }
0x24: {  	[sflag:s15] =	ssyncset.done $0x0  }
0x25: {  	[sflag:s15] =	ssyncadd.s32 $0xFFFFFF80  }
0x26: {  	v0 =	vld [tilespmem:$0x3E80]  }
0x27: {  	v1 =	vld [tilespmem:$0x3E90]  }
0x28: {  	v2 =	vld [tilespmem:$0x3EA0]  }
0x29: {  	v3 =	vld [tilespmem:$0x3EB0]  }
0x2a: {  	v4 =	vld [tilespmem:$0x3EC0]  }
0x2b: {  	(erf) = vrcp.f32 v0;
	v0 =	vld [tilespmem:$0x3ED0]  }
0x2c: {  	(erf) = vrcp.f32 v1;
	v1 =	vld [tilespmem:$0x3EE0]  }
0x2d: {  	(erf) = vrcp.f32 v2;
	v2 =	vld [tilespmem:$0x3EE7]  }
0x2e: {  	(erf) = vrcp.f32 v3  }
0x2f: {  	(erf) = vrcp.f32 v4  }
0x30: {  	(erf) = vrcp.f32 v0  }
0x31: {  	(erf) = vrcp.f32 v1  }
0x32: {  	(erf) = vrcp.f32 v2;
	_ =	sdelay $0x1  }
0x33: {  	v0 =	vpop (erf)  }
0x34: {  	v1 =	vpop (erf);
	[tilespmem:$0x3F00] =	vst v0  }
0x35: {  	v0 =	vpop (erf);
	[tilespmem:$0x3F10] =	vst v1  }
0x36: {  	v1 =	vpop (erf);
	[tilespmem:$0x3F20] =	vst v0  }
0x37: {  	v0 =	vpop (erf);
	[tilespmem:$0x3F30] =	vst v1  }
0x38: {  	v1 =	vpop (erf);
	[tilespmem:$0x3F40] =	vst v0  }
0x39: {  	v0 =	vpop (erf);
	[tilespmem:$0x3F50] =	vst v1  }
0x3a: {  	[tilespmem:$0x3F60] =	vst v0;
	v0 =	vpop (erf)  }
0x3b: {  	[tilespmem:$0x3F67] =	vst v0  }
0x3c: {  	_ =	swait.ge [sflag:s16], $0x1A00  }
0x3d: {  	[sflag:s16] =	ssyncset.done $0x0  }
0x3e: {  	s31 =	simm.s32 $0x40;
	[sflag:s16] =	ssyncadd.s32 $0xFFFFE600  }
0x3f: {  	v0 =	vld [tilespmem:s31+$0x30]  }
0x40: {  	v1 =	vld [tilespmem:s31+$0xFFFFFFD0]  }
0x41: {  	v2 =	vld [tilespmem:s31+$0xFFFFFFE0]  }
0x42: {  	v4 =	vld [tilespmem:s31+$0x0]  }
0x43: {  	v5 =	vld [tilespmem:s31+$0x10]  }
0x44: {  	v6 =	vld [tilespmem:s31+$0xFFFFFFC0];
	vm0 =	vlt.s32 v0, $0x76  }
0x45: {  	vm10 =	vlt.s32 v1, $0x76;
	v0 =	vnsel vm0, $0x76, v0  }
0x46: {  	v7 =	vld [tilespmem:s31+$0x20];
	vm11 =	vlt.s32 v2, $0x76;
	v1 =	vnsel vm10, $0x76, v1  }
0x47: {  	s22 =	simm.s32 $0xD40;
	v3 =	vld [tilespmem:s31+$0xFFFFFFF0];
	vm13 =	vlt.s32 v4, $0x76;
	v2 =	vnsel vm11, $0x76, v2  }
0x48: {  	v8 =	vld [tilespmem:s22+$0xB0];
	vm14 =	vlt.s32 v5, $0x76;
	v4 =	vnsel vm13, $0x76, v4  }
0x49: {  	v11 =	vld [tilespmem:s22+$0x40];
	vm15 =	vlt.s32 v6, $0x76;
	v5 =	vnsel vm14, $0x76, v5  }
0x4a: {  	v6 =	vnsel vm15, $0x76, v6;
	v0 =	vld.idx.msk [tilespmem:v0+s17+$0x0], $0xffff  }
0x4b: {  	vm1 =	vlt.s32 v7, $0x76;
	v9 =	vld.idx.msk [tilespmem:v1+s17+$0x0], $0xffff  }
0x4c: {  	v1 =	vnsel vm1, $0x76, v7;
	v7 =	vld.idx.msk [tilespmem:v2+s17+$0x0], $0xffff  }
0x4d: {  	v10 =	vld.idx.msk [tilespmem:v4+s17+$0x0], $0xffff  }
0x4e: {  	v2 =	vld.idx.msk [tilespmem:v5+s17+$0x0], $0xffff  }
0x4f: {  	v4 =	vld.idx.msk [tilespmem:v6+s17+$0x0], $0xffff  }
0x50: {  	vm12 =	vlt.s32 v3, $0x76;
	v6 =	vld [tilespmem:s22+$0xFFFFFFC0]  }
0x51: {  	v3 =	vnsel vm12, $0x76, v3;
	v5 =	vld [tilespmem:s22+$0xFFFFFF40]  }
0x52: {  	v12 =	vld [tilespmem:s22+$0xFFFFFF50]  }
0x53: {  	v13 =	vld [tilespmem:s22+$0xFFFFFFD0]  }
0x54: {  	v14 =	vld [tilespmem:s22+$0x50];
	v8 =	vmul.f32 v8, v0  }
0x55: {  	v62 =	vld [tilespmem:s22+$0xFFFFFF70];
	v6 =	vmul.f32 v6, v4  }
0x56: {  	v3 =	vld.idx.msk [tilespmem:v3+s17+$0x0], $0xffff;
	v5 =	vmul.f32 v5, v4;
	[tilespmem:s22+$0xB0] =	vst v8  }
0x57: {  	v8 =	vld [tilespmem:s22+$0xFFFFFF60];
	[tilespmem:s22+$0xFFFFFFC0] =	vst v6;
	v6 =	vmul.f32 v12, v9  }
0x58: {  	v4 =	vmul.f32 v11, v4;
	[tilespmem:s22+$0xFFFFFF40] =	vst v5;
	v5 =	vld [tilespmem:s22+$0xFFFFFFE0]  }
0x59: {  	v11 =	vld [tilespmem:s22+$0x60];
	[tilespmem:s22+$0xFFFFFF50] =	vst v6;
	v6 =	vmul.f32 v14, v9  }
0x5a: {  	[tilespmem:s22+$0x40] =	vst v4;
	v4 =	vmul.f32 v13, v9;
	v9 =	vld [tilespmem:s22+$0xFFFFFFF0]  }
0x5b: {  	[tilespmem:s22+$0x50] =	vst v6;
	v6 =	vld [tilespmem:s22+$0xFFFFFF80]  }
0x5c: {  	[tilespmem:s22+$0xFFFFFFD0] =	vst v4;
	v4 =	vmul.f32 v8, v7;
	v8 =	vld [tilespmem:s22+$0x70]  }
0x5d: {  	v1 =	vld.idx.msk [tilespmem:v1+s17+$0x0], $0xffff;
	v5 =	vmul.f32 v5, v7  }
0x5e: {  	[tilespmem:s22+$0xFFFFFF60] =	vst v4;
	v4 =	vmul.f32 v11, v7;
	v7 =	vld [tilespmem:s22+$0x0]  }
0x5f: {  	[tilespmem:s22+$0xFFFFFFE0] =	vst v5;
	v5 =	vmul.f32 v62, v3;
	v11 =	vld [tilespmem:s22+$0x80]  }
0x60: {  	v9 =	vmul.f32 v9, v3;
	[tilespmem:s22+$0x60] =	vst v4;
	v4 =	vld [tilespmem:s22+$0xFFFFFF90]  }
0x61: {  	[tilespmem:s22+$0xFFFFFF70] =	vst v5;
	v63 =	vmul.f32 v6, v10;
	v8 =	vmul.f32 v8, v3;
	v3 =	vld [tilespmem:s22+$0x10]  }
0x62: {  	[tilespmem:s22+$0xFFFFFFF0] =	vst v9;
	v5 =	vld [tilespmem:s22+$0x90]  }
0x63: {  	v6 =	vld [tilespmem:s22+$0xFFFFFFA0];
	[tilespmem:s22+$0xFFFFFF80] =	vst v63;
	v9 =	vmul.f32 v7, v10  }
0x64: {  	s25 =	simm.s32 $0xC0;
	s24 =	simm.s32 $0x0;
	s23 =	simm.s32 $0xD40;
	[tilespmem:s22+$0x70] =	vst v8;
	v8 =	vmul.f32 v11, v10;
	v7 =	vld [tilespmem:s22+$0x20]  }
.LBB2_2:
0x65: {  	v10 =	vld [tilespmem:s25+$0x30];
	s24 =	sadd.s32 $0x8, s24;
	[tilespmem:s22+$0x0] =	vst v9;
	v4 =	vmul.f32 v4, v2  }
0x66: {  	v9 =	vld [tilespmem:s25+$0xFFFFFFD0];
	p1 =	slt.u32 s24, $0x60;
	[tilespmem:s22+$0x80] =	vst v8;
	v3 =	vmul.f32 v3, v2  }
0x67: {  	v8 =	vld [tilespmem:s25+$0xFFFFFFE0];
	[tilespmem:s22+$0xFFFFFF90] =	vst v4;
	v2 =	vmul.f32 v5, v2  }
0x68: {  	v4 =	vld [tilespmem:s25+$0xFFFFFFF0];
	[tilespmem:s22+$0x10] =	vst v3;
	v3 =	vmul.f32 v6, v1  }
0x69: {  	v5 =	vld [tilespmem:s25+$0x0];
	[tilespmem:s22+$0x90] =	vst v2;
	v2 =	vmul.f32 v7, v1  }
0x6a: {  	v6 =	vld [tilespmem:s25+$0x10];
	vm0 =	vlt.s32 v10, $0x76;
	[tilespmem:s22+$0xFFFFFFA0] =	vst v3  }
0x6b: {  	vm1 =	vlt.s32 v9, $0x76;
	v3 =	vld [tilespmem:s25+$0x20];
	v7 =	vnsel vm0, $0x76, v10;
	[tilespmem:s22+$0x20] =	vst v2  }
0x6c: {  	v2 =	vld [tilespmem:s25+$0xFFFFFFC0];
	v9 =	vnsel vm1, $0x76, v9;
	vm0 =	vlt.s32 v8, $0x76  }
0x6d: {  	v8 =	vnsel vm0, $0x76, v8;
	vm0 =	vlt.s32 v4, $0x76;
	v10 =	vld [tilespmem:s22+$0xA0]  }
0x6e: {  	v4 =	vnsel vm0, $0x76, v4;
	vm0 =	vlt.s32 v5, $0x76;
	v11 =	vld [tilespmem:s22+$0xFFFFFFB0]  }
0x6f: {  	v5 =	vnsel vm0, $0x76, v5;
	vm0 =	vlt.s32 v6, $0x76;
	v12 =	vld [tilespmem:s22+$0x30]  }
0x70: {  	s22 =	sadd.s32 $0x200, s22;
	v6 =	vnsel vm0, $0x76, v6;
	vm0 =	vlt.s32 v3, $0x76;
	v7 =	vld.idx.msk [tilespmem:v7+s17+$0x0], $0xffff  }
0x71: {  	vm1 =	vlt.s32 v2, $0x76;
	v3 =	vnsel vm0, $0x76, v3;
	v13 =	vld [tilespmem:s22+$0xB0]  }
0x72: {  	v14 =	vnsel vm1, $0x76, v2;
	v9 =	vld.idx.msk [tilespmem:v9+s17+$0x0], $0xffff;
	v1 =	vmul.f32 v10, v1  }
0x73: {  	v8 =	vld.idx.msk [tilespmem:v8+s17+$0x0], $0xffff;
	v2 =	vmul.f32 v11, v0  }
0x74: {  	v10 =	vld.idx.msk [tilespmem:v4+s17+$0x0], $0xffff;
	[tilespmem:s23+$0xA0] =	vst v1;
	v1 =	vmul.f32 v12, v0  }
0x75: {  	v11 =	vld.idx.msk [tilespmem:v5+s17+$0x0], $0xffff;
	[tilespmem:s23+$0xFFFFFFB0] =	vst v2  }
0x76: {  	v0 =	vmov v7;
	v2 =	vld.idx.msk [tilespmem:v6+s17+$0x0], $0xffff;
	v4 =	vmul.f32 v13, v7;
	[tilespmem:s23+$0x30] =	vst v1;
	s23 =	smov.u32 s22  }
0x77: {  	v5 =	vld.idx.msk [tilespmem:v14+s17+$0x0], $0xffff  }
0x78: {  	v1 =	vld.idx.msk [tilespmem:v3+s17+$0x0], $0xffff;
	[tilespmem:s22+$0xB0] =	vst v4  }
0x79: {  	v3 =	vld [tilespmem:s22+$0xFFFFFF40]  }
0x7a: {  	v4 =	vld [tilespmem:s22+$0xFFFFFFC0]  }
0x7b: {  	v6 =	vld [tilespmem:s22+$0x40]  }
0x7c: {  	v7 =	vld [tilespmem:s22+$0xFFFFFF50]  }
0x7d: {  	v12 =	vld [tilespmem:s22+$0xFFFFFFD0]  }
0x7e: {  	v3 =	vmul.f32 v3, v5;
	v13 =	vld [tilespmem:s22+$0x50]  }
0x7f: {  	v4 =	vmul.f32 v4, v5;
	v14 =	vld [tilespmem:s22+$0xFFFFFF60]  }
0x80: {  	[tilespmem:s22+$0xFFFFFF40] =	vst v3;
	v3 =	vmul.f32 v6, v5;
	v5 =	vld [tilespmem:s22+$0xFFFFFFE0]  }
0x81: {  	[tilespmem:s22+$0xFFFFFFC0] =	vst v4;
	v4 =	vmul.f32 v7, v9;
	v6 =	vld [tilespmem:s22+$0x60]  }
0x82: {  	[tilespmem:s22+$0x40] =	vst v3;
	v3 =	vmul.f32 v12, v9;
	v7 =	vld [tilespmem:s22+$0xFFFFFF70]  }
0x83: {  	[tilespmem:s22+$0xFFFFFF50] =	vst v4;
	v4 =	vmul.f32 v13, v9;
	v9 =	vld [tilespmem:s22+$0xFFFFFFF0]  }
0x84: {  	[tilespmem:s22+$0xFFFFFFD0] =	vst v3;
	v3 =	vmul.f32 v14, v8;
	v12 =	vld [tilespmem:s22+$0x70]  }
0x85: {  	[tilespmem:s22+$0x50] =	vst v4;
	v4 =	vmul.f32 v5, v8;
	v5 =	vld [tilespmem:s22+$0xFFFFFF80]  }
0x86: {  	[tilespmem:s22+$0xFFFFFF60] =	vst v3;
	v3 =	vmul.f32 v6, v8;
	v6 =	vld [tilespmem:s22+$0x0]  }
0x87: {  	[tilespmem:s22+$0xFFFFFFE0] =	vst v4;
	v7 =	vmul.f32 v7, v10;
	v8 =	vld [tilespmem:s22+$0x80]  }
.Ltmp0:
0x88: {  	[tilespmem:s22+$0x60] =	vst v3;
	v9 =	vmul.f32 v9, v10;
	v4 =	vld [tilespmem:s22+$0xFFFFFF90];
	(pc) =	sbr.rel @p1 .LBB2_2-.Ltmp0, $4  }
0x89: {  	[tilespmem:s22+$0xFFFFFF70] =	vst v7;
	v7 =	vmul.f32 v12, v10;
	v3 =	vld [tilespmem:s22+$0x10]  }
0x8a: {  	[tilespmem:s22+$0xFFFFFFF0] =	vst v9;
	v10 =	vmul.f32 v5, v11;
	v5 =	vld [tilespmem:s22+$0x90]  }
0x8b: {  	[tilespmem:s22+$0x70] =	vst v7;
	v9 =	vmul.f32 v6, v11;
	v6 =	vld [tilespmem:s22+$0xFFFFFFA0]  }
0x8c: {  	s25 =	sadd.s32 $0x80, s25;
	[tilespmem:s22+$0xFFFFFF80] =	vst v10;
	v8 =	vmul.f32 v8, v11;
	v7 =	vld [tilespmem:s22+$0x20]  }
0x8d: {  	_ =	sdelay $0x2  }
0x8e: {  	v6 =	vmul.f32 v6, v1  }
0x8f: {  	v7 =	vmul.f32 v7, v1  }
0x90: {  	[tilespmem:s22+$0xFFFFFFA0] =	vst v6;
	v6 =	vld [tilespmem:s22+$0xA0]  }
0x91: {  	[tilespmem:s22+$0x20] =	vst v7;
	v7 =	vld [tilespmem:s22+$0xFFFFFFB0]  }
0x92: {  	[tilespmem:s22+$0x0] =	vst v9;
	v4 =	vmul.f32 v4, v2;
	v9 =	vld [tilespmem:s22+$0x30]  }
0x93: {  	[tilespmem:s22+$0x80] =	vst v8;
	v3 =	vmul.f32 v3, v2  }
0x94: {  	[tilespmem:s22+$0xFFFFFF90] =	vst v4;
	v2 =	vmul.f32 v5, v2  }
0x95: {  	[tilespmem:s22+$0x10] =	vst v3;
	v1 =	vmul.f32 v6, v1  }
0x96: {  	[tilespmem:s22+$0x90] =	vst v2;
	v2 =	vmul.f32 v7, v0  }
0x97: {  	v0 =	vmul.f32 v9, v0;
	[tilespmem:s23+$0xA0] =	vst v1  }
0x98: {  	[tilespmem:s23+$0xFFFFFFB0] =	vst v2  }
0x99: {  	[tilespmem:s23+$0x30] =	vst v0  }
0x9a: {  	[hbm4b:s9+s3] =	stream.linear.scatter [tilespmem:s12], [sflag:$0x3], $0x1A00, $0x38;
	[tilespmem:$0x3F80] =	vst v63  }
0x9b: {  	_ =	swait.ge [sflag:s18], $0x1800  }
0x9c: {  	[sflag:s18] =	ssyncset.done $0x0  }
0x9d: {  	s31 =	simm.s32 $0x6F0;
	[sflag:s18] =	ssyncadd.s32 $0xFFFFE800  }
0x9e: {  	v0 =	vld [tilespmem:s31+$0x0]  }
0x9f: {  	v1 =	vld [tilespmem:s31+$0xFFFFFFA0]  }
0xa0: {  	v2 =	vld [tilespmem:s31+$0xFFFFFFB0]  }
0xa1: {  	v4 =	vld [tilespmem:s31+$0xFFFFFFD0]  }
0xa2: {  	v5 =	vld [tilespmem:s31+$0xFFFFFFE0]  }
0xa3: {  	v6 =	vld [tilespmem:s31+$0xFFFFFF90];
	vm0 =	vlt.s32 v0, $0x76  }
0xa4: {  	vm10 =	vlt.s32 v1, $0x76;
	v0 =	vnsel vm0, $0x76, v0  }
0xa5: {  	v7 =	vld [tilespmem:s31+$0xFFFFFFF0];
	vm11 =	vlt.s32 v2, $0x76;
	v1 =	vnsel vm10, $0x76, v1  }
0xa6: {  	s22 =	simm.s32 $0x27F0;
	v3 =	vld [tilespmem:s31+$0xFFFFFFC0];
	vm13 =	vlt.s32 v4, $0x76;
	v2 =	vnsel vm11, $0x76, v2  }
0xa7: {  	v8 =	vld [tilespmem:s22+$0x0];
	vm14 =	vlt.s32 v5, $0x76;
	v4 =	vnsel vm13, $0x76, v4  }
0xa8: {  	v11 =	vld [tilespmem:s22+$0xFFFFFF90];
	vm15 =	vlt.s32 v6, $0x76;
	v5 =	vnsel vm14, $0x76, v5  }
0xa9: {  	v6 =	vnsel vm15, $0x76, v6;
	v0 =	vld.idx.msk [tilespmem:v0+s17+$0x0], $0xffff  }
0xaa: {  	vm1 =	vlt.s32 v7, $0x76;
	v9 =	vld.idx.msk [tilespmem:v1+s17+$0x0], $0xffff  }
0xab: {  	v1 =	vnsel vm1, $0x76, v7;
	v7 =	vld.idx.msk [tilespmem:v2+s17+$0x0], $0xffff  }
0xac: {  	v10 =	vld.idx.msk [tilespmem:v4+s17+$0x0], $0xffff  }
0xad: {  	v2 =	vld.idx.msk [tilespmem:v5+s17+$0x0], $0xffff  }
0xae: {  	v4 =	vld.idx.msk [tilespmem:v6+s17+$0x0], $0xffff  }
0xaf: {  	vm12 =	vlt.s32 v3, $0x76;
	v6 =	vld [tilespmem:s22+$0xFFFFFF10]  }
0xb0: {  	v3 =	vnsel vm12, $0x76, v3;
	v5 =	vld [tilespmem:s22+$0xFFFFFE90]  }
0xb1: {  	v12 =	vld [tilespmem:s22+$0xFFFFFEA0]  }
0xb2: {  	v13 =	vld [tilespmem:s22+$0xFFFFFF20]  }
0xb3: {  	v14 =	vld [tilespmem:s22+$0xFFFFFFA0];
	v8 =	vmul.f32 v8, v0  }
0xb4: {  	v62 =	vld [tilespmem:s22+$0xFFFFFEC0];
	v6 =	vmul.f32 v6, v4  }
0xb5: {  	v3 =	vld.idx.msk [tilespmem:v3+s17+$0x0], $0xffff;
	v5 =	vmul.f32 v5, v4;
	[tilespmem:s22+$0x0] =	vst v8  }
0xb6: {  	v8 =	vld [tilespmem:s22+$0xFFFFFEB0];
	[tilespmem:s22+$0xFFFFFF10] =	vst v6;
	v6 =	vmul.f32 v12, v9  }
0xb7: {  	v4 =	vmul.f32 v11, v4;
	[tilespmem:s22+$0xFFFFFE90] =	vst v5;
	v5 =	vld [tilespmem:s22+$0xFFFFFF30]  }
0xb8: {  	v11 =	vld [tilespmem:s22+$0xFFFFFFB0];
	[tilespmem:s22+$0xFFFFFEA0] =	vst v6;
	v6 =	vmul.f32 v14, v9  }
0xb9: {  	[tilespmem:s22+$0xFFFFFF90] =	vst v4;
	v4 =	vmul.f32 v13, v9;
	v9 =	vld [tilespmem:s22+$0xFFFFFF40]  }
0xba: {  	[tilespmem:s22+$0xFFFFFFA0] =	vst v6;
	v6 =	vld [tilespmem:s22+$0xFFFFFED0]  }
0xbb: {  	[tilespmem:s22+$0xFFFFFF20] =	vst v4;
	v4 =	vmul.f32 v8, v7;
	v8 =	vld [tilespmem:s22+$0xFFFFFFC0]  }
0xbc: {  	v1 =	vld.idx.msk [tilespmem:v1+s17+$0x0], $0xffff;
	v5 =	vmul.f32 v5, v7  }
0xbd: {  	[tilespmem:s22+$0xFFFFFEB0] =	vst v4;
	v4 =	vmul.f32 v11, v7;
	v7 =	vld [tilespmem:s22+$0xFFFFFF50]  }
0xbe: {  	[tilespmem:s22+$0xFFFFFF30] =	vst v5;
	v5 =	vmul.f32 v62, v3;
	v11 =	vld [tilespmem:s22+$0xFFFFFFD0]  }
0xbf: {  	v9 =	vmul.f32 v9, v3;
	[tilespmem:s22+$0xFFFFFFB0] =	vst v4;
	v4 =	vld [tilespmem:s22+$0xFFFFFEE0]  }
0xc0: {  	[tilespmem:s22+$0xFFFFFEC0] =	vst v5;
	v63 =	vmul.f32 v6, v10;
	v8 =	vmul.f32 v8, v3;
	v3 =	vld [tilespmem:s22+$0xFFFFFF60]  }
0xc1: {  	[tilespmem:s22+$0xFFFFFF40] =	vst v9;
	v5 =	vld [tilespmem:s22+$0xFFFFFFE0]  }
0xc2: {  	v6 =	vld [tilespmem:s22+$0xFFFFFEF0];
	[tilespmem:s22+$0xFFFFFED0] =	vst v63;
	v9 =	vmul.f32 v7, v10  }
0xc3: {  	s24 =	simm.s32 $0x68;
	s25 =	simm.s32 $0x770;
	s23 =	simm.s32 $0x27F0;
	[tilespmem:s22+$0xFFFFFFC0] =	vst v8;
	v8 =	vmul.f32 v11, v10;
	v7 =	vld [tilespmem:s22+$0xFFFFFF70]  }
.LBB2_4:
0xc4: {  	v10 =	vld [tilespmem:s25+$0x0];
	s24 =	sadd.s32 $0x8, s24;
	[tilespmem:s22+$0xFFFFFF50] =	vst v9;
	v4 =	vmul.f32 v4, v2  }
0xc5: {  	v9 =	vld [tilespmem:s25+$0xFFFFFFA0];
	p1 =	slt.u32 s24, $0xC0;
	[tilespmem:s22+$0xFFFFFFD0] =	vst v8;
	v3 =	vmul.f32 v3, v2  }
0xc6: {  	v8 =	vld [tilespmem:s25+$0xFFFFFFB0];
	[tilespmem:s22+$0xFFFFFEE0] =	vst v4;
	v2 =	vmul.f32 v5, v2  }
0xc7: {  	v4 =	vld [tilespmem:s25+$0xFFFFFFC0];
	[tilespmem:s22+$0xFFFFFF60] =	vst v3;
	v3 =	vmul.f32 v6, v1  }
0xc8: {  	v5 =	vld [tilespmem:s25+$0xFFFFFFD0];
	[tilespmem:s22+$0xFFFFFFE0] =	vst v2;
	v2 =	vmul.f32 v7, v1  }
0xc9: {  	v6 =	vld [tilespmem:s25+$0xFFFFFFE0];
	vm0 =	vlt.s32 v10, $0x76;
	[tilespmem:s22+$0xFFFFFEF0] =	vst v3  }
0xca: {  	vm1 =	vlt.s32 v9, $0x76;
	v3 =	vld [tilespmem:s25+$0xFFFFFFF0];
	v7 =	vnsel vm0, $0x76, v10;
	[tilespmem:s22+$0xFFFFFF70] =	vst v2  }
0xcb: {  	v2 =	vld [tilespmem:s25+$0xFFFFFF90];
	v9 =	vnsel vm1, $0x76, v9;
	vm0 =	vlt.s32 v8, $0x76  }
0xcc: {  	v8 =	vnsel vm0, $0x76, v8;
	vm0 =	vlt.s32 v4, $0x76;
	v10 =	vld [tilespmem:s22+$0xFFFFFFF0]  }
0xcd: {  	v4 =	vnsel vm0, $0x76, v4;
	vm0 =	vlt.s32 v5, $0x76;
	v11 =	vld [tilespmem:s22+$0xFFFFFF00]  }
0xce: {  	v5 =	vnsel vm0, $0x76, v5;
	vm0 =	vlt.s32 v6, $0x76;
	v12 =	vld [tilespmem:s22+$0xFFFFFF80]  }
0xcf: {  	s22 =	sadd.s32 $0x200, s22;
	v6 =	vnsel vm0, $0x76, v6;
	vm0 =	vlt.s32 v3, $0x76;
	v7 =	vld.idx.msk [tilespmem:v7+s17+$0x0], $0xffff  }
0xd0: {  	vm1 =	vlt.s32 v2, $0x76;
	v3 =	vnsel vm0, $0x76, v3;
	v13 =	vld [tilespmem:s22+$0x0]  }
0xd1: {  	v14 =	vnsel vm1, $0x76, v2;
	v9 =	vld.idx.msk [tilespmem:v9+s17+$0x0], $0xffff;
	v1 =	vmul.f32 v10, v1  }
0xd2: {  	v8 =	vld.idx.msk [tilespmem:v8+s17+$0x0], $0xffff;
	v2 =	vmul.f32 v11, v0  }
0xd3: {  	v10 =	vld.idx.msk [tilespmem:v4+s17+$0x0], $0xffff;
	[tilespmem:s23+$0xFFFFFFF0] =	vst v1;
	v1 =	vmul.f32 v12, v0  }
0xd4: {  	v11 =	vld.idx.msk [tilespmem:v5+s17+$0x0], $0xffff;
	[tilespmem:s23+$0xFFFFFF00] =	vst v2  }
0xd5: {  	v0 =	vmov v7;
	v2 =	vld.idx.msk [tilespmem:v6+s17+$0x0], $0xffff;
	v4 =	vmul.f32 v13, v7;
	[tilespmem:s23+$0xFFFFFF80] =	vst v1;
	s23 =	smov.u32 s22  }
0xd6: {  	v5 =	vld.idx.msk [tilespmem:v14+s17+$0x0], $0xffff  }
0xd7: {  	v1 =	vld.idx.msk [tilespmem:v3+s17+$0x0], $0xffff;
	[tilespmem:s22+$0x0] =	vst v4  }
0xd8: {  	v3 =	vld [tilespmem:s22+$0xFFFFFE90]  }
0xd9: {  	v4 =	vld [tilespmem:s22+$0xFFFFFF10]  }
0xda: {  	v6 =	vld [tilespmem:s22+$0xFFFFFF90]  }
0xdb: {  	v7 =	vld [tilespmem:s22+$0xFFFFFEA0]  }
0xdc: {  	v12 =	vld [tilespmem:s22+$0xFFFFFF20]  }
0xdd: {  	v3 =	vmul.f32 v3, v5;
	v13 =	vld [tilespmem:s22+$0xFFFFFFA0]  }
0xde: {  	v4 =	vmul.f32 v4, v5;
	v14 =	vld [tilespmem:s22+$0xFFFFFEB0]  }
0xdf: {  	[tilespmem:s22+$0xFFFFFE90] =	vst v3;
	v3 =	vmul.f32 v6, v5;
	v5 =	vld [tilespmem:s22+$0xFFFFFF30]  }
0xe0: {  	[tilespmem:s22+$0xFFFFFF10] =	vst v4;
	v4 =	vmul.f32 v7, v9;
	v6 =	vld [tilespmem:s22+$0xFFFFFFB0]  }
0xe1: {  	[tilespmem:s22+$0xFFFFFF90] =	vst v3;
	v3 =	vmul.f32 v12, v9;
	v7 =	vld [tilespmem:s22+$0xFFFFFEC0]  }
0xe2: {  	[tilespmem:s22+$0xFFFFFEA0] =	vst v4;
	v4 =	vmul.f32 v13, v9;
	v9 =	vld [tilespmem:s22+$0xFFFFFF40]  }
0xe3: {  	[tilespmem:s22+$0xFFFFFF20] =	vst v3;
	v3 =	vmul.f32 v14, v8;
	v12 =	vld [tilespmem:s22+$0xFFFFFFC0]  }
0xe4: {  	[tilespmem:s22+$0xFFFFFFA0] =	vst v4;
	v4 =	vmul.f32 v5, v8;
	v5 =	vld [tilespmem:s22+$0xFFFFFED0]  }
0xe5: {  	[tilespmem:s22+$0xFFFFFEB0] =	vst v3;
	v3 =	vmul.f32 v6, v8;
	v6 =	vld [tilespmem:s22+$0xFFFFFF50]  }
0xe6: {  	[tilespmem:s22+$0xFFFFFF30] =	vst v4;
	v7 =	vmul.f32 v7, v10;
	v8 =	vld [tilespmem:s22+$0xFFFFFFD0]  }
.Ltmp1:
0xe7: {  	[tilespmem:s22+$0xFFFFFFB0] =	vst v3;
	v9 =	vmul.f32 v9, v10;
	v4 =	vld [tilespmem:s22+$0xFFFFFEE0];
	(pc) =	sbr.rel @p1 .LBB2_4-.Ltmp1, $4  }
0xe8: {  	[tilespmem:s22+$0xFFFFFEC0] =	vst v7;
	v7 =	vmul.f32 v12, v10;
	v3 =	vld [tilespmem:s22+$0xFFFFFF60]  }
0xe9: {  	[tilespmem:s22+$0xFFFFFF40] =	vst v9;
	v10 =	vmul.f32 v5, v11;
	v5 =	vld [tilespmem:s22+$0xFFFFFFE0]  }
0xea: {  	[tilespmem:s22+$0xFFFFFFC0] =	vst v7;
	v9 =	vmul.f32 v6, v11;
	v6 =	vld [tilespmem:s22+$0xFFFFFEF0]  }
0xeb: {  	s25 =	sadd.s32 $0x80, s25;
	[tilespmem:s22+$0xFFFFFED0] =	vst v10;
	v8 =	vmul.f32 v8, v11;
	v7 =	vld [tilespmem:s22+$0xFFFFFF70]  }
0xec: {  	v57 =	vld [tilespmem:s22+$0xFFFFFFF0];
	[tilespmem:s22+$0xFFFFFF50] =	vst v9;
	v4 =	vmul.f32 v4, v2  }
0xed: {  	v58 =	vld [tilespmem:s22+$0xFFFFFF00];
	[tilespmem:s22+$0xFFFFFFD0] =	vst v8;
	v3 =	vmul.f32 v3, v2  }
0xee: {  	v59 =	vld [tilespmem:s22+$0xFFFFFF80];
	[tilespmem:s22+$0xFFFFFEE0] =	vst v4;
	v60 =	vmul.f32 v5, v2  }
0xef: {  	v6 =	vmul.f32 v6, v1;
	[tilespmem:s22+$0xFFFFFF60] =	vst v3  }
0xf0: {  	v7 =	vmul.f32 v7, v1;
	[tilespmem:s22+$0xFFFFFFE0] =	vst v60  }
0xf1: {  	[tilespmem:s22+$0xFFFFFEF0] =	vst v6;
	v61 =	vmul.f32 v57, v1  }
0xf2: {  	v62 =	vmul.f32 v58, v0;
	[tilespmem:s22+$0xFFFFFF70] =	vst v7  }
0xf3: {  	v63 =	vmul.f32 v59, v0;
	[tilespmem:s23+$0xFFFFFFF0] =	vst v61  }
0xf4: {  	[tilespmem:s23+$0xFFFFFF00] =	vst v62  }
0xf5: {  	s21 =	sadd.s32 $0x1, s21;
	[tilespmem:s23+$0xFFFFFF80] =	vst v63  }
0xf6: {  	[hbm4b:s10+s3] =	stream.linear.scatter [tilespmem:s13], [sflag:$0x4], $0x1800, $0x38;
	[tilespmem:$0x3F80] =	vst v63  }
0xf7: {  	p1 =	sne.s32 s21, s11;
	_ =	swait.ge [sflag:s19], $0x1A00  }
.Ltmp2:
0xf8: {  	[sflag:s19] =	ssyncset.done $0x0;
	(pc) =	sbr.rel @p1 .LBB2_1-.Ltmp2, $4  }
0xf9: {  	[sflag:s19] =	ssyncadd.s32 $0xFFFFE600  }
0xfa: {  	_ =	swait.ge [sflag:s20], $0x1800  }
0xfb: {  	[sflag:s20] =	ssyncset.done $0x0  }
0xfc: {  	[sflag:s20] =	ssyncadd.s32 $0xFFFFE800  }
0xfd: {  	_ =	sfence.sel $0x180000  }
0xfe: {  	[bflag:$0x0] =	sbarrier.arrive $0xFFFF  }
0xff: {  	p0 =	sne.s32 s1, $0x0;
	_ =	strace $0x90000047  }
0x100: {  	s0 =	sadd.s32 @!p0 $0x100000, s0;
	[bflag:$0x2] =	sbarrier.arrive $0xFFFF  }
0x101: {  	[sflag:s0] =	ssyncadd.tile.s32 @!p0 $0x1;
	_ =	shalt  }
.Lfunc_end2:
_tile_overlayer_lowered:
.L_overlay_start_2:
0x102: {  	(tag) =	ssettag $0x2  }
0x103: {  	s0 =	rddreg [dreg:$0x0];
	s2 =	stileid.u32  }
0x104: {  	s1 =	rddreg [dreg:$0x1];
	p0 =	sne.s32 s2, $0x0  }
0x105: {  	s3 =	rddreg [dreg:$0x2];
	[bflag:$0x3] =	sbarrier.arrive $0xFFFF;
	s2 =	simm.s32 @!p0 $0x1C05  }
0x106: {  	[timem:s3], [sflag:s2] =	dma.local @!p0 [hbm:s0], s1  }
0x107: {  	s0 =	simm.s32 @!p0 $0x5  }
0x108: {  	_ =	swait.ge @!p0 [sflag:s0], s1  }
0x109: {  	s1 =	ssub.s32 @!p0 $0x0, s1;
	[sflag:s0] =	ssyncset.done @!p0 $0x0  }
0x10a: {  	[sflag:s0] =	ssyncadd.s32 @!p0 s1  }
0x10b: {  	[bflag:$0x3] =	sbarrier.arrive $0xFFFF  }
0x10c: {  	_ =	shalt  }

</sc_bundles>
